<compile_context>
chip_gen: v7x
topology: tpu7x:2x2x1
jax: 0.10.2.dev20260603
libtpu: 0.0.44.dev20260713+nightly
codegen_flags: <defaults>
</compile_context>

<pallas_src>
import functools

import jax
import jax.numpy as jnp
from jax import lax
from jax.experimental import pallas as pl
from jax.experimental.pallas import tpu as pltpu
from jax.experimental.pallas import tpu_sc as plsc

B = 4096
V = 1000000
D = 16
F = 26
L = 20
DOM = 10
TF = F * D
TFP = 512
ATT_HID = 128
ATT_OUT = 64
FIN_HID = 64

NC = 2
NS = 16
NW = NC * NS
B_PER_W = B // NW
QF = TFP // 128
NPADL = 128 - TF % 128

CW = 8192
NBLK = -(-V // CW)
V2 = NBLK * CW


def _detile_body(tt_ref, out_ref):
    x = tt_ref[...]
    t = x.T.reshape(CW // 8, 8, D)
    for p in range(8):
        out_ref[:, pl.ds(p * D, D)] = t[:, p, :]


def _detile(tt):
    return pl.pallas_call(
        _detile_body,
        grid=(NBLK,),
        in_specs=[pl.BlockSpec((D, CW), lambda i: (0, i))],
        out_specs=pl.BlockSpec((CW // 8, 128), lambda i: (i, 0)),
        out_shape=jax.ShapeDtypeStruct((V2 // 8, 128), jnp.float32),
    )(tt)


def _gather_sum(xt, table):
    mesh = plsc.VectorSubcoreMesh(core_axis_name="c", subcore_axis_name="s")

    @functools.partial(
        pl.kernel,
        out_type=jax.ShapeDtypeStruct((B, QF, 128), jnp.float32),
        mesh=mesh,
        scratch_types=[
            pltpu.VMEM((L, B_PER_W), jnp.int32),
            pltpu.VMEM((L * B_PER_W, D), jnp.float32),
            pltpu.VMEM((B_PER_W, D), jnp.float32),
            pltpu.VMEM((B_PER_W, NPADL), jnp.float32),
            pltpu.SemaphoreType.DMA,
        ],
        compiler_params=pltpu.CompilerParams(use_tc_tiling_on_sc=False),
    )
    def k(xt_hbm, table_hbm, out_hbm, idx_v, rows_v, acc_v, zer_v, sem):
        wid = lax.axis_index("s") * NC + lax.axis_index("c")
        b0 = wid * B_PER_W
        zero16 = jnp.zeros((D,), jnp.float32)

        @pl.loop(0, B_PER_W)
        def _(j):
            for c in range(NPADL // D):
                zer_v[j, pl.ds(c * D, D)] = zero16
        pltpu.sync_copy(
            zer_v, out_hbm.at[pl.ds(b0, B_PER_W), QF - 1, pl.ds(TF % 128, NPADL)])

        @pl.loop(0, F)
        def _(f):
            pltpu.sync_copy(xt_hbm.at[f, :, pl.ds(b0, B_PER_W)], idx_v)
            copies = []
            for l in range(L):
                copies.append(pltpu.async_copy(
                    table_hbm.at[idx_v.at[l]],
                    rows_v.at[pl.ds(l * B_PER_W, B_PER_W)], sem))
            for cp in copies:
                cp.wait()

            @pl.loop(0, B_PER_W)
            def _(j):
                acc = rows_v[j]
                for l in range(1, L):
                    acc = acc + rows_v[l * B_PER_W + j]
                acc_v[j] = acc

            pltpu.sync_copy(
                acc_v,
                out_hbm.at[pl.ds(b0, B_PER_W), f // 8, pl.ds((f % 8) * D, D)])

    return k(xt, table)


BB = 512


def _tail_body(emb_ref, did_ref, dt_ref, w1a_ref, w1d_ref, b1_ref, w2_ref,
               b2_ref, wo_ref, bo_ref, wf1a_ref, wf1d_ref, bf1_ref, wf2_ref,
               bf2_ref, out_ref):
    e = emb_ref[...].reshape(BB, TFP)
    did = did_ref[...]
    oh = (did == lax.broadcasted_iota(jnp.int32, (BB, DOM), 1))
    de = jnp.dot(oh.astype(jnp.float32), dt_ref[...],
                 preferred_element_type=jnp.float32)
    h = jnp.dot(e, w1a_ref[...], preferred_element_type=jnp.float32)
    h = h + jnp.dot(de, w1d_ref[...], preferred_element_type=jnp.float32)
    h = jnp.maximum(h + b1_ref[...], 0.0)
    h = jnp.maximum(
        jnp.dot(h, w2_ref[...], preferred_element_type=jnp.float32)
        + b2_ref[...], 0.0)
    aw = jnp.dot(h, wo_ref[...], preferred_element_type=jnp.float32)
    aw = aw + bo_ref[...]
    aw = aw - jnp.max(aw, axis=1, keepdims=True)
    ex = jnp.exp(aw)
    aw = ex / jnp.sum(ex, axis=1, keepdims=True)
    w = e * aw
    hh = jnp.dot(w, wf1a_ref[...], preferred_element_type=jnp.float32)
    hh = hh + jnp.dot(de, wf1d_ref[...], preferred_element_type=jnp.float32)
    hh = jnp.maximum(hh + bf1_ref[...], 0.0)
    logit = jnp.dot(hh, wf2_ref[...], preferred_element_type=jnp.float32)
    logit = logit + bf2_ref[...]
    out_ref[...] = 1.0 / (1.0 + jnp.exp(-logit))


def _tail(emb, did, dom_table, w1a, w1d, b1, w2, b2, wo, bo, wf1a, wf1d,
          bf1, wf2, bf2):
    full = lambda shape: pl.BlockSpec(shape, lambda i: (0, 0))
    return pl.pallas_call(
        _tail_body,
        grid=(B // BB,),
        in_specs=[
            pl.BlockSpec((BB, QF, 128), lambda i: (i, 0, 0)),
            pl.BlockSpec((BB, 1), lambda i: (i, 0)),
            full((DOM, D)),
            full((TFP, ATT_HID)),
            full((D, ATT_HID)),
            full((1, ATT_HID)),
            full((ATT_HID, ATT_OUT)),
            full((1, ATT_OUT)),
            full((ATT_OUT, TFP)),
            full((1, TFP)),
            full((TFP, FIN_HID)),
            full((D, FIN_HID)),
            full((1, FIN_HID)),
            full((FIN_HID, 1)),
            full((1, 1)),
        ],
        out_specs=pl.BlockSpec((BB, 1), lambda i: (i, 0)),
        out_shape=jax.ShapeDtypeStruct((B, 1), jnp.float32),
    )(emb, did, dom_table, w1a, w1d, b1, w2, b2, wo, bo, wf1a, wf1d, bf1,
      wf2, bf2)


def kernel(x, domain_ids, table, dom_table, W1, b1, W2, b2, Wo, bo, Wf1,
           bf1, Wf2, bf2):
    tt = table.T
    tl = _detile(tt)
    tlv = tl.reshape(V2, D)
    xt = jnp.transpose(x, (1, 2, 0))
    emb = _gather_sum(xt, tlv)
    npad = TFP - TF
    w1a = jnp.concatenate([W1[:TF], jnp.zeros((npad, ATT_HID), W1.dtype)])
    w1d = W1[TF:].reshape(F, D, ATT_HID).sum(axis=0)
    wo_p = jnp.concatenate([Wo, jnp.zeros((ATT_OUT, npad), Wo.dtype)], axis=1)
    bo_p = jnp.concatenate([bo, jnp.full((npad,), -1e30, bo.dtype)])
    wf1a = jnp.concatenate([Wf1[:TF], jnp.zeros((npad, FIN_HID), Wf1.dtype)])
    wf1d = Wf1[TF:]
    did = domain_ids.reshape(B, 1).astype(jnp.int32)
    return _tail(emb, did, dom_table, w1a, w1d, b1.reshape(1, -1), W2,
                 b2.reshape(1, -1), wo_p, bo_p.reshape(1, -1), wf1a, wf1d,
                 bf1.reshape(1, -1), Wf2, bf2.reshape(1, 1))

# --- scband reference (transcript-rebuilt; emitter-appended) ---
"""Pipeline reference for scband-sainet-model-86955907875092 (READ-ONLY COPY).

The authoritative reference and input builder live on the scoring server;
editing this copy changes nothing except your own understanding.
"""

import jax, jax.numpy as jnp
import numpy as np

B = 4096       # batch
V = 1000000    # vocab (rows in shared sparse embedding table)
D = 16         # embedding_dim
F = 26         # n_sparse_fields (feature_count of EmbeddingSumConcat)
L = 20         # multi-hot ids per field (summed)
DOM = 10       # domain_count
TF = F * D     # total_feature_dim = 416
ATT_IN = TF + TF          # 832
ATT_HID = 128
ATT_OUT = 64              # interest_attention_dim
FIN_IN = TF + D           # 432
FIN_HID = 64


def setup_inputs(seed: int = 0) -> dict:
    key = jax.random.key(seed)
    ks = jax.random.split(key, 16)
    x = jax.random.randint(ks[0], (B, F, L), 0, V)
    domain_ids = jax.random.randint(ks[1], (B,), 0, DOM)
    table = jax.random.normal(ks[2], (V, D), dtype=jnp.float32) * 0.1
    dom_table = jax.random.normal(ks[3], (DOM, D), dtype=jnp.float32) * 0.1
    W1 = jax.random.normal(ks[4], (ATT_IN, ATT_HID), dtype=jnp.float32) * 0.05
    b1 = jnp.zeros((ATT_HID,), dtype=jnp.float32)
    W2 = jax.random.normal(ks[5], (ATT_HID, ATT_OUT), dtype=jnp.float32) * 0.05
    b2 = jnp.zeros((ATT_OUT,), dtype=jnp.float32)
    Wo = jax.random.normal(ks[6], (ATT_OUT, TF), dtype=jnp.float32) * 0.05
    bo = jnp.zeros((TF,), dtype=jnp.float32)
    Wf1 = jax.random.normal(ks[7], (FIN_IN, FIN_HID), dtype=jnp.float32) * 0.05
    bf1 = jnp.zeros((FIN_HID,), dtype=jnp.float32)
    Wf2 = jax.random.normal(ks[8], (FIN_HID, 1), dtype=jnp.float32) * 0.05
    bf2 = jnp.zeros((1,), dtype=jnp.float32)
    return {"x": x, "domain_ids": domain_ids, "table": table, "dom_table": dom_table,
            "W1": W1, "b1": b1, "W2": W2, "b2": b2, "Wo": Wo, "bo": bo,
            "Wf1": Wf1, "bf1": bf1, "Wf2": Wf2, "bf2": bf2}


def reference(x, domain_ids, table, dom_table, W1, b1, W2, b2, Wo, bo, Wf1, bf1, Wf2, bf2):
    bsz = x.shape[0]
    # EmbeddingSumConcat: gather per-field multi-hot ids, sum within field, concat fields
    emb = jnp.take(table, x, axis=0)          # [B, F, L, D]
    emb = emb.sum(axis=2)                      # [B, F, D]
    embedded_features = emb.reshape(bsz, -1)   # [B, TF]
    # domain embedding lookup
    domain_embedded = jnp.take(dom_table, domain_ids, axis=0)   # [B, D]
    domain_flat = jnp.tile(domain_embedded[:, None, :], (1, F, 1)).reshape(bsz, -1)  # [B, TF]
    attention_input = jnp.concatenate([embedded_features, domain_flat], axis=1)       # [B, 2*TF]
    h = jax.nn.relu(attention_input @ W1 + b1)
    h = jax.nn.relu(h @ W2 + b2)
    attention_weights_raw = h @ Wo + bo        # [B, TF]
    attention_weights = jax.nn.softmax(attention_weights_raw, axis=1)
    weighted = embedded_features * attention_weights
    final_input = jnp.concatenate([weighted, domain_embedded], axis=1)  # [B, TF+D]
    hh = jax.nn.relu(final_input @ Wf1 + bf1)
    logits = hh @ Wf2 + bf2
    return jax.nn.sigmoid(logits)

if __name__ == "__main__":
    import jax
    _d = setup_inputs()
    print(jax.jit(kernel)(*tuple(_d.values())))

</pallas_src>

<mosaic_0001>
#map = affine_map<(d0, d1) -> (0, 0, 0)>
#map1 = affine_map<(d0, d1) -> (0, 0)>
module attributes {stable_mosaic.version = 14 : i64} {
  func.func @k(%arg0: i32, %arg1: i32, %arg2: memref<26x20x4096xi32, #tpu.memory_space<hbm>>, %arg3: memref<1007616x16xf32, #tpu.memory_space<hbm>>, %arg4: memref<4096x4x128xf32, #tpu.memory_space<hbm>>, %arg5: memref<20x128xi32, #tpu.memory_space<vmem>>, %arg6: memref<2560x16xf32, #tpu.memory_space<vmem>>, %arg7: memref<128x16xf32, #tpu.memory_space<vmem>>, %arg8: memref<128x96xf32, #tpu.memory_space<vmem>>, %arg9: memref<!tpu.dma_semaphore, #tpu.memory_space<semaphore_mem>>) attributes {dimension_semantics = [#tpu.dimension_semantics<core_parallel>, #tpu.dimension_semantics<subcore_parallel>], iteration_bounds = array<i64: 2, 16>, scalar_prefetch = 0 : i64, scratch_operands = 5 : i64, tpu.core_type = #tpu.core_type<sc_vector_subcore>, window_params = [{transform_indices = #map}, {transform_indices = #map1}, {transform_indices = #map}]} {
    %mul3A = arith.constant 2 : i32
    %mul3A_0 = arith.muli %arg1, %mul3A : i32
    %add3A = arith.addi %mul3A_0, %arg0 : i32
    %mul3A_1 = arith.constant 128 : i32
    %mul3A_2 = arith.muli %add3A, %mul3A_1 : i32
    %broadcast_in_dim3A = arith.constant 0.000000e+00 : f32
    %broadcast_in_dim3A_3 = vector.broadcast %broadcast_in_dim3A : f32 to vector<16xf32>
    %scan3A = arith.constant 0 : i32
    %scan3A_4 = arith.constant 128 : i32
    %scan3A_5 = arith.addi %scan3A, %scan3A_4 : i32
    %scan3A_6 = arith.constant 1 : i32
    scf.for %scan3A_13 = %scan3A to %scan3A_5 step %scan3A_6  : i32 {
      %mul3A_14 = arith.constant 1 : i32
      %mul3A_15 = arith.muli %scan3A_13, %mul3A_14 : i32
      %add3A_16 = arith.constant 0 : i32
      %add3A_17 = arith.addi %add3A_16, %mul3A_15 : i32
      %swap3A = arith.index_cast %add3A_17 : i32 to index
      %swap3A_18 = arith.constant 0 : index
      %swap3A_19 = tpu.vector_load %arg8[%swap3A, %swap3A_18] {strides = array<i32>} : memref<128x96xf32, #tpu.memory_space<vmem>>, vector<1x16xf32>,
      %swap3A_20 = vector.shape_cast %swap3A_19 : vector<1x16xf32> to vector<16xf32>
      %swap3A_21 = vector.shape_cast %broadcast_in_dim3A_3 : vector<16xf32> to vector<1x16xf32>
      tpu.vector_store %arg8[%swap3A, %swap3A_18], %swap3A_21 {strides = array<i32>} : memref<128x96xf32, #tpu.memory_space<vmem>>, vector<1x16xf32>,
      %swap3A_22 = arith.index_cast %add3A_17 : i32 to index
      %swap3A_23 = arith.constant 16 : index
      %swap3A_24 = tpu.vector_load %arg8[%swap3A_22, %swap3A_23] {strides = array<i32>} : memref<128x96xf32, #tpu.memory_space<vmem>>, vector<1x16xf32>,
      %swap3A_25 = vector.shape_cast %swap3A_24 : vector<1x16xf32> to vector<16xf32>
      %swap3A_26 = vector.shape_cast %broadcast_in_dim3A_3 : vector<16xf32> to vector<1x16xf32>
      tpu.vector_store %arg8[%swap3A_22, %swap3A_23], %swap3A_26 {strides = array<i32>} : memref<128x96xf32, #tpu.memory_space<vmem>>, vector<1x16xf32>,
      %swap3A_27 = arith.index_cast %add3A_17 : i32 to index
      %swap3A_28 = arith.constant 32 : index
      %swap3A_29 = tpu.vector_load %arg8[%swap3A_27, %swap3A_28] {strides = array<i32>} : memref<128x96xf32, #tpu.memory_space<vmem>>, vector<1x16xf32>,
      %swap3A_30 = vector.shape_cast %swap3A_29 : vector<1x16xf32> to vector<16xf32>
      %swap3A_31 = vector.shape_cast %broadcast_in_dim3A_3 : vector<16xf32> to vector<1x16xf32>
      tpu.vector_store %arg8[%swap3A_27, %swap3A_28], %swap3A_31 {strides = array<i32>} : memref<128x96xf32, #tpu.memory_space<vmem>>, vector<1x16xf32>,
      %swap3A_32 = arith.index_cast %add3A_17 : i32 to index
      %swap3A_33 = arith.constant 48 : index
      %swap3A_34 = tpu.vector_load %arg8[%swap3A_32, %swap3A_33] {strides = array<i32>} : memref<128x96xf32, #tpu.memory_space<vmem>>, vector<1x16xf32>,
      %swap3A_35 = vector.shape_cast %swap3A_34 : vector<1x16xf32> to vector<16xf32>
      %swap3A_36 = vector.shape_cast %broadcast_in_dim3A_3 : vector<16xf32> to vector<1x16xf32>
      tpu.vector_store %arg8[%swap3A_32, %swap3A_33], %swap3A_36 {strides = array<i32>} : memref<128x96xf32, #tpu.memory_space<vmem>>, vector<1x16xf32>,
      %swap3A_37 = arith.index_cast %add3A_17 : i32 to index
      %swap3A_38 = arith.constant 64 : index
      %swap3A_39 = tpu.vector_load %arg8[%swap3A_37, %swap3A_38] {strides = array<i32>} : memref<128x96xf32, #tpu.memory_space<vmem>>, vector<1x16xf32>,
      %swap3A_40 = vector.shape_cast %swap3A_39 : vector<1x16xf32> to vector<16xf32>
      %swap3A_41 = vector.shape_cast %broadcast_in_dim3A_3 : vector<16xf32> to vector<1x16xf32>
      tpu.vector_store %arg8[%swap3A_37, %swap3A_38], %swap3A_41 {strides = array<i32>} : memref<128x96xf32, #tpu.memory_space<vmem>>, vector<1x16xf32>,
      %swap3A_42 = arith.index_cast %add3A_17 : i32 to index
      %swap3A_43 = arith.constant 80 : index
      %swap3A_44 = tpu.vector_load %arg8[%swap3A_42, %swap3A_43] {strides = array<i32>} : memref<128x96xf32, #tpu.memory_space<vmem>>, vector<1x16xf32>,
      %swap3A_45 = vector.shape_cast %swap3A_44 : vector<1x16xf32> to vector<16xf32>
      %swap3A_46 = vector.shape_cast %broadcast_in_dim3A_3 : vector<16xf32> to vector<1x16xf32>
      tpu.vector_store %arg8[%swap3A_42, %swap3A_43], %swap3A_46 {strides = array<i32>} : memref<128x96xf32, #tpu.memory_space<vmem>>, vector<1x16xf32>,
    }
    %scan3A_7 = arith.constant 128 : i32
    %run_scoped3A = arith.constant 3 : i32
    "tpu.region"() ({
      %run_scoped3A_13 = tpu.sem_alloc : memref<!tpu.dma_semaphore, #tpu.memory_space<semaphore_mem>>
      %dma_start3A = arith.constant 32 : i32
      %dma_start3A_14 = tpu.memref_slice %arg4[%mul3A_2, %run_scoped3A, %dma_start3A] : memref<4096x4x128xf32, #tpu.memory_space<hbm>> -> memref<128x1x96xf32, #tpu.memory_space<hbm>>
      %dma_start3A_15 = tpu.memref_squeeze %dma_start3A_14 : memref<128x1x96xf32, #tpu.memory_space<hbm>> -> memref<128x96xf32, #tpu.memory_space<hbm>>
      %dma_start3A_16 = arith.constant 32 : i32
      %dma_start3A_17 = tpu.memref_slice %arg4[%mul3A_2, %run_scoped3A, %dma_start3A_16] : memref<4096x4x128xf32, #tpu.memory_space<hbm>> -> memref<128x1x96xf32, #tpu.memory_space<hbm>>
      %dma_start3A_18 = tpu.memref_squeeze %dma_start3A_17 : memref<128x1x96xf32, #tpu.memory_space<hbm>> -> memref<128x96xf32, #tpu.memory_space<hbm>>
      tpu.enqueue_dma source(%arg8 : memref<128x96xf32, #tpu.memory_space<vmem>>) target(%dma_start3A_18 : memref<128x96xf32, #tpu.memory_space<hbm>>) target_semaphore(%run_scoped3A_13 : memref<!tpu.dma_semaphore, #tpu.memory_space<semaphore_mem>>)
      %dma_wait3A = arith.constant 32 : i32
      %dma_wait3A_19 = tpu.memref_slice %arg4[%mul3A_2, %run_scoped3A, %dma_wait3A] : memref<4096x4x128xf32, #tpu.memory_space<hbm>> -> memref<128x1x96xf32, #tpu.memory_space<hbm>>
      %dma_wait3A_20 = tpu.memref_squeeze %dma_wait3A_19 : memref<128x1x96xf32, #tpu.memory_space<hbm>> -> memref<128x96xf32, #tpu.memory_space<hbm>>
      %dma_wait3A_21 = arith.constant 32 : i32
      %dma_wait3A_22 = tpu.memref_slice %arg4[%mul3A_2, %run_scoped3A, %dma_wait3A_21] : memref<4096x4x128xf32, #tpu.memory_space<hbm>> -> memref<128x1x96xf32, #tpu.memory_space<hbm>>
      %dma_wait3A_23 = tpu.memref_squeeze %dma_wait3A_22 : memref<128x1x96xf32, #tpu.memory_space<hbm>> -> memref<128x96xf32, #tpu.memory_space<hbm>>
      tpu.wait_dma2 semaphore(%run_scoped3A_13 : memref<!tpu.dma_semaphore, #tpu.memory_space<semaphore_mem>>) src(%arg8 : memref<128x96xf32, #tpu.memory_space<vmem>>) dst(%dma_wait3A_23 : memref<128x96xf32, #tpu.memory_space<hbm>>)
      tpu.yield
    }) : () -> ()
    %scan3A_8 = arith.constant 0 : i32
    %scan3A_9 = arith.constant 26 : i32
    %scan3A_10 = arith.addi %scan3A_8, %scan3A_9 : i32
    %scan3A_11 = arith.constant 1 : i32
    scf.for %scan3A_13 = %scan3A_8 to %scan3A_10 step %scan3A_11  : i32 {
      %mul3A_14 = arith.constant 1 : i32
      %mul3A_15 = arith.muli %scan3A_13, %mul3A_14 : i32
      %add3A_16 = arith.constant 0 : i32
      %add3A_17 = arith.addi %add3A_16, %mul3A_15 : i32
      "tpu.region"() ({
        %run_scoped3A_453 = tpu.sem_alloc : memref<!tpu.dma_semaphore, #tpu.memory_space<semaphore_mem>>
        %dma_start3A_454 = arith.constant 0 : i32
        %dma_start3A_455 = tpu.memref_slice %arg2[%add3A_17, %dma_start3A_454, %mul3A_2] : memref<26x20x4096xi32, #tpu.memory_space<hbm>> -> memref<1x20x128xi32, #tpu.memory_space<hbm>>
        %dma_start3A_456 = tpu.memref_squeeze %dma_start3A_455 : memref<1x20x128xi32, #tpu.memory_space<hbm>> -> memref<20x128xi32, #tpu.memory_space<hbm>>
        %dma_start3A_457 = arith.constant 0 : i32
        %dma_start3A_458 = tpu.memref_slice %arg2[%add3A_17, %dma_start3A_457, %mul3A_2] : memref<26x20x4096xi32, #tpu.memory_space<hbm>> -> memref<1x20x128xi32, #tpu.memory_space<hbm>>
        %dma_start3A_459 = tpu.memref_squeeze %dma_start3A_458 : memref<1x20x128xi32, #tpu.memory_space<hbm>> -> memref<20x128xi32, #tpu.memory_space<hbm>>
        tpu.enqueue_dma source(%dma_start3A_459 : memref<20x128xi32, #tpu.memory_space<hbm>>) target(%arg5 : memref<20x128xi32, #tpu.memory_space<vmem>>) target_semaphore(%run_scoped3A_453 : memref<!tpu.dma_semaphore, #tpu.memory_space<semaphore_mem>>)
        %dma_wait3A_460 = arith.constant 0 : i32
        %dma_wait3A_461 = tpu.memref_slice %arg2[%add3A_17, %dma_wait3A_460, %mul3A_2] : memref<26x20x4096xi32, #tpu.memory_space<hbm>> -> memref<1x20x128xi32, #tpu.memory_space<hbm>>
        %dma_wait3A_462 = tpu.memref_squeeze %dma_wait3A_461 : memref<1x20x128xi32, #tpu.memory_space<hbm>> -> memref<20x128xi32, #tpu.memory_space<hbm>>
        %dma_wait3A_463 = arith.constant 0 : i32
        %dma_wait3A_464 = tpu.memref_slice %arg2[%add3A_17, %dma_wait3A_463, %mul3A_2] : memref<26x20x4096xi32, #tpu.memory_space<hbm>> -> memref<1x20x128xi32, #tpu.memory_space<hbm>>
        %dma_wait3A_465 = tpu.memref_squeeze %dma_wait3A_464 : memref<1x20x128xi32, #tpu.memory_space<hbm>> -> memref<20x128xi32, #tpu.memory_space<hbm>>
        tpu.wait_dma2 semaphore(%run_scoped3A_453 : memref<!tpu.dma_semaphore, #tpu.memory_space<semaphore_mem>>) src(%dma_wait3A_465 : memref<20x128xi32, #tpu.memory_space<hbm>>) dst(%arg5 : memref<20x128xi32, #tpu.memory_space<vmem>>)
        tpu.yield
      }) : () -> ()
      %dma_start3A = arith.constant 0 : i32
      %dma_start3A_18 = arith.constant 0 : i32
      %dma_start3A_19 = arith.constant 0 : i32
      %dma_start3A_20 = tpu.memref_slice %arg6[%dma_start3A_18, %dma_start3A_19] : memref<2560x16xf32, #tpu.memory_space<vmem>> -> memref<128x16xf32, #tpu.memory_space<vmem>>
      %dma_start3A_21 = arith.constant 0 : i32
      %dma_start3A_22 = tpu.memref_slice %arg5[%dma_start3A, %dma_start3A_21] : memref<20x128xi32, #tpu.memory_space<vmem>> -> memref<1x128xi32, #tpu.memory_space<vmem>>
      %dma_start3A_23 = tpu.memref_squeeze %dma_start3A_22 : memref<1x128xi32, #tpu.memory_space<vmem>> -> memref<128xi32, #tpu.memory_space<vmem>>
      %dma_start3A_24 = arith.constant 0 : i32
      %dma_start3A_25 = arith.constant 0 : i32
      %dma_start3A_26 = tpu.memref_slice %arg3[%dma_start3A_24, %dma_start3A_25] : memref<1007616x16xf32, #tpu.memory_space<hbm>> -> memref<1007616x16xf32, #tpu.memory_space<hbm>>
      tpu.enqueue_indirect_dma source(%dma_start3A_26 : memref<1007616x16xf32, #tpu.memory_space<hbm>>) target(%dma_start3A_20 : memref<128x16xf32, #tpu.memory_space<vmem>>) offsets(%dma_start3A_23 : memref<128xi32, #tpu.memory_space<vmem>>) semaphore(%arg9 : memref<!tpu.dma_semaphore, #tpu.memory_space<semaphore_mem>>)
      %dma_start3A_27 = arith.constant 1 : i32
      %dma_start3A_28 = arith.constant 128 : i32
      %dma_start3A_29 = arith.constant 0 : i32
      %dma_start3A_30 = tpu.memref_slice %arg6[%dma_start3A_28, %dma_start3A_29] : memref<2560x16xf32, #tpu.memory_space<vmem>> -> memref<128x16xf32, #tpu.memory_space<vmem>>
      %dma_start3A_31 = arith.constant 0 : i32
      %dma_start3A_32 = tpu.memref_slice %arg5[%dma_start3A_27, %dma_start3A_31] : memref<20x128xi32, #tpu.memory_space<vmem>> -> memref<1x128xi32, #tpu.memory_space<vmem>>
      %dma_start3A_33 = tpu.memref_squeeze %dma_start3A_32 : memref<1x128xi32, #tpu.memory_space<vmem>> -> memref<128xi32, #tpu.memory_space<vmem>>
      %dma_start3A_34 = arith.constant 0 : i32
      %dma_start3A_35 = arith.constant 0 : i32
      %dma_start3A_36 = tpu.memref_slice %arg3[%dma_start3A_34, %dma_start3A_35] : memref<1007616x16xf32, #tpu.memory_space<hbm>> -> memref<1007616x16xf32, #tpu.memory_space<hbm>>
      tpu.enqueue_indirect_dma source(%dma_start3A_36 : memref<1007616x16xf32, #tpu.memory_space<hbm>>) target(%dma_start3A_30 : memref<128x16xf32, #tpu.memory_space<vmem>>) offsets(%dma_start3A_33 : memref<128xi32, #tpu.memory_space<vmem>>) semaphore(%arg9 : memref<!tpu.dma_semaphore, #tpu.memory_space<semaphore_mem>>)
      %dma_start3A_37 = arith.constant 2 : i32
      %dma_start3A_38 = arith.constant 256 : i32
      %dma_start3A_39 = arith.constant 0 : i32
      %dma_start3A_40 = tpu.memref_slice %arg6[%dma_start3A_38, %dma_start3A_39] : memref<2560x16xf32, #tpu.memory_space<vmem>> -> memref<128x16xf32, #tpu.memory_space<vmem>>
      %dma_start3A_41 = arith.constant 0 : i32
      %dma_start3A_42 = tpu.memref_slice %arg5[%dma_start3A_37, %dma_start3A_41] : memref<20x128xi32, #tpu.memory_space<vmem>> -> memref<1x128xi32, #tpu.memory_space<vmem>>
      %dma_start3A_43 = tpu.memref_squeeze %dma_start3A_42 : memref<1x128xi32, #tpu.memory_space<vmem>> -> memref<128xi32, #tpu.memory_space<vmem>>
      %dma_start3A_44 = arith.constant 0 : i32
      %dma_start3A_45 = arith.constant 0 : i32
      %dma_start3A_46 = tpu.memref_slice %arg3[%dma_start3A_44, %dma_start3A_45] : memref<1007616x16xf32, #tpu.memory_space<hbm>> -> memref<1007616x16xf32, #tpu.memory_space<hbm>>
      tpu.enqueue_indirect_dma source(%dma_start3A_46 : memref<1007616x16xf32, #tpu.memory_space<hbm>>) target(%dma_start3A_40 : memref<128x16xf32, #tpu.memory_space<vmem>>) offsets(%dma_start3A_43 : memref<128xi32, #tpu.memory_space<vmem>>) semaphore(%arg9 : memref<!tpu.dma_semaphore, #tpu.memory_space<semaphore_mem>>)
      %dma_start3A_47 = arith.constant 3 : i32
      %dma_start3A_48 = arith.constant 384 : i32
      %dma_start3A_49 = arith.constant 0 : i32
      %dma_start3A_50 = tpu.memref_slice %arg6[%dma_start3A_48, %dma_start3A_49] : memref<2560x16xf32, #tpu.memory_space<vmem>> -> memref<128x16xf32, #tpu.memory_space<vmem>>
      %dma_start3A_51 = arith.constant 0 : i32
      %dma_start3A_52 = tpu.memref_slice %arg5[%dma_start3A_47, %dma_start3A_51] : memref<20x128xi32, #tpu.memory_space<vmem>> -> memref<1x128xi32, #tpu.memory_space<vmem>>
      %dma_start3A_53 = tpu.memref_squeeze %dma_start3A_52 : memref<1x128xi32, #tpu.memory_space<vmem>> -> memref<128xi32, #tpu.memory_space<vmem>>
      %dma_start3A_54 = arith.constant 0 : i32
      %dma_start3A_55 = arith.constant 0 : i32
      %dma_start3A_56 = tpu.memref_slice %arg3[%dma_start3A_54, %dma_start3A_55] : memref<1007616x16xf32, #tpu.memory_space<hbm>> -> memref<1007616x16xf32, #tpu.memory_space<hbm>>
      tpu.enqueue_indirect_dma source(%dma_start3A_56 : memref<1007616x16xf32, #tpu.memory_space<hbm>>) target(%dma_start3A_50 : memref<128x16xf32, #tpu.memory_space<vmem>>) offsets(%dma_start3A_53 : memref<128xi32, #tpu.memory_space<vmem>>) semaphore(%arg9 : memref<!tpu.dma_semaphore, #tpu.memory_space<semaphore_mem>>)
      %dma_start3A_57 = arith.constant 4 : i32
      %dma_start3A_58 = arith.constant 512 : i32
      %dma_start3A_59 = arith.constant 0 : i32
      %dma_start3A_60 = tpu.memref_slice %arg6[%dma_start3A_58, %dma_start3A_59] : memref<2560x16xf32, #tpu.memory_space<vmem>> -> memref<128x16xf32, #tpu.memory_space<vmem>>
      %dma_start3A_61 = arith.constant 0 : i32
      %dma_start3A_62 = tpu.memref_slice %arg5[%dma_start3A_57, %dma_start3A_61] : memref<20x128xi32, #tpu.memory_space<vmem>> -> memref<1x128xi32, #tpu.memory_space<vmem>>
      %dma_start3A_63 = tpu.memref_squeeze %dma_start3A_62 : memref<1x128xi32, #tpu.memory_space<vmem>> -> memref<128xi32, #tpu.memory_space<vmem>>
      %dma_start3A_64 = arith.constant 0 : i32
      %dma_start3A_65 = arith.constant 0 : i32
      %dma_start3A_66 = tpu.memref_slice %arg3[%dma_start3A_64, %dma_start3A_65] : memref<1007616x16xf32, #tpu.memory_space<hbm>> -> memref<1007616x16xf32, #tpu.memory_space<hbm>>
      tpu.enqueue_indirect_dma source(%dma_start3A_66 : memref<1007616x16xf32, #tpu.memory_space<hbm>>) target(%dma_start3A_60 : memref<128x16xf32, #tpu.memory_space<vmem>>) offsets(%dma_start3A_63 : memref<128xi32, #tpu.memory_space<vmem>>) semaphore(%arg9 : memref<!tpu.dma_semaphore, #tpu.memory_space<semaphore_mem>>)
      %dma_start3A_67 = arith.constant 5 : i32
      %dma_start3A_68 = arith.constant 640 : i32
      %dma_start3A_69 = arith.constant 0 : i32
      %dma_start3A_70 = tpu.memref_slice %arg6[%dma_start3A_68, %dma_start3A_69] : memref<2560x16xf32, #tpu.memory_space<vmem>> -> memref<128x16xf32, #tpu.memory_space<vmem>>
      %dma_start3A_71 = arith.constant 0 : i32
      %dma_start3A_72 = tpu.memref_slice %arg5[%dma_start3A_67, %dma_start3A_71] : memref<20x128xi32, #tpu.memory_space<vmem>> -> memref<1x128xi32, #tpu.memory_space<vmem>>
      %dma_start3A_73 = tpu.memref_squeeze %dma_start3A_72 : memref<1x128xi32, #tpu.memory_space<vmem>> -> memref<128xi32, #tpu.memory_space<vmem>>
      %dma_start3A_74 = arith.constant 0 : i32
      %dma_start3A_75 = arith.constant 0 : i32
      %dma_start3A_76 = tpu.memref_slice %arg3[%dma_start3A_74, %dma_start3A_75] : memref<1007616x16xf32, #tpu.memory_space<hbm>> -> memref<1007616x16xf32, #tpu.memory_space<hbm>>
      tpu.enqueue_indirect_dma source(%dma_start3A_76 : memref<1007616x16xf32, #tpu.memory_space<hbm>>) target(%dma_start3A_70 : memref<128x16xf32, #tpu.memory_space<vmem>>) offsets(%dma_start3A_73 : memref<128xi32, #tpu.memory_space<vmem>>) semaphore(%arg9 : memref<!tpu.dma_semaphore, #tpu.memory_space<semaphore_mem>>)
      %dma_start3A_77 = arith.constant 6 : i32
      %dma_start3A_78 = arith.constant 768 : i32
      %dma_start3A_79 = arith.constant 0 : i32
      %dma_start3A_80 = tpu.memref_slice %arg6[%dma_start3A_78, %dma_start3A_79] : memref<2560x16xf32, #tpu.memory_space<vmem>> -> memref<128x16xf32, #tpu.memory_space<vmem>>
      %dma_start3A_81 = arith.constant 0 : i32
      %dma_start3A_82 = tpu.memref_slice %arg5[%dma_start3A_77, %dma_start3A_81] : memref<20x128xi32, #tpu.memory_space<vmem>> -> memref<1x128xi32, #tpu.memory_space<vmem>>
      %dma_start3A_83 = tpu.memref_squeeze %dma_start3A_82 : memref<1x128xi32, #tpu.memory_space<vmem>> -> memref<128xi32, #tpu.memory_space<vmem>>
      %dma_start3A_84 = arith.constant 0 : i32
      %dma_start3A_85 = arith.constant 0 : i32
      %dma_start3A_86 = tpu.memref_slice %arg3[%dma_start3A_84, %dma_start3A_85] : memref<1007616x16xf32, #tpu.memory_space<hbm>> -> memref<1007616x16xf32, #tpu.memory_space<hbm>>
      tpu.enqueue_indirect_dma source(%dma_start3A_86 : memref<1007616x16xf32, #tpu.memory_space<hbm>>) target(%dma_start3A_80 : memref<128x16xf32, #tpu.memory_space<vmem>>) offsets(%dma_start3A_83 : memref<128xi32, #tpu.memory_space<vmem>>) semaphore(%arg9 : memref<!tpu.dma_semaphore, #tpu.memory_space<semaphore_mem>>)
      %dma_start3A_87 = arith.constant 7 : i32
      %dma_start3A_88 = arith.constant 896 : i32
      %dma_start3A_89 = arith.constant 0 : i32
      %dma_start3A_90 = tpu.memref_slice %arg6[%dma_start3A_88, %dma_start3A_89] : memref<2560x16xf32, #tpu.memory_space<vmem>> -> memref<128x16xf32, #tpu.memory_space<vmem>>
      %dma_start3A_91 = arith.constant 0 : i32
      %dma_start3A_92 = tpu.memref_slice %arg5[%dma_start3A_87, %dma_start3A_91] : memref<20x128xi32, #tpu.memory_space<vmem>> -> memref<1x128xi32, #tpu.memory_space<vmem>>
      %dma_start3A_93 = tpu.memref_squeeze %dma_start3A_92 : memref<1x128xi32, #tpu.memory_space<vmem>> -> memref<128xi32, #tpu.memory_space<vmem>>
      %dma_start3A_94 = arith.constant 0 : i32
      %dma_start3A_95 = arith.constant 0 : i32
      %dma_start3A_96 = tpu.memref_slice %arg3[%dma_start3A_94, %dma_start3A_95] : memref<1007616x16xf32, #tpu.memory_space<hbm>> -> memref<1007616x16xf32, #tpu.memory_space<hbm>>
      tpu.enqueue_indirect_dma source(%dma_start3A_96 : memref<1007616x16xf32, #tpu.memory_space<hbm>>) target(%dma_start3A_90 : memref<128x16xf32, #tpu.memory_space<vmem>>) offsets(%dma_start3A_93 : memref<128xi32, #tpu.memory_space<vmem>>) semaphore(%arg9 : memref<!tpu.dma_semaphore, #tpu.memory_space<semaphore_mem>>)
      %dma_start3A_97 = arith.constant 8 : i32
      %dma_start3A_98 = arith.constant 1024 : i32
      %dma_start3A_99 = arith.constant 0 : i32
      %dma_start3A_100 = tpu.memref_slice %arg6[%dma_start3A_98, %dma_start3A_99] : memref<2560x16xf32, #tpu.memory_space<vmem>> -> memref<128x16xf32, #tpu.memory_space<vmem>>
      %dma_start3A_101 = arith.constant 0 : i32
      %dma_start3A_102 = tpu.memref_slice %arg5[%dma_start3A_97, %dma_start3A_101] : memref<20x128xi32, #tpu.memory_space<vmem>> -> memref<1x128xi32, #tpu.memory_space<vmem>>
      %dma_start3A_103 = tpu.memref_squeeze %dma_start3A_102 : memref<1x128xi32, #tpu.memory_space<vmem>> -> memref<128xi32, #tpu.memory_space<vmem>>
      %dma_start3A_104 = arith.constant 0 : i32
      %dma_start3A_105 = arith.constant 0 : i32
      %dma_start3A_106 = tpu.memref_slice %arg3[%dma_start3A_104, %dma_start3A_105] : memref<1007616x16xf32, #tpu.memory_space<hbm>> -> memref<1007616x16xf32, #tpu.memory_space<hbm>>
      tpu.enqueue_indirect_dma source(%dma_start3A_106 : memref<1007616x16xf32, #tpu.memory_space<hbm>>) target(%dma_start3A_100 : memref<128x16xf32, #tpu.memory_space<vmem>>) offsets(%dma_start3A_103 : memref<128xi32, #tpu.memory_space<vmem>>) semaphore(%arg9 : memref<!tpu.dma_semaphore, #tpu.memory_space<semaphore_mem>>)
      %dma_start3A_107 = arith.constant 9 : i32
      %dma_start3A_108 = arith.constant 1152 : i32
      %dma_start3A_109 = arith.constant 0 : i32
      %dma_start3A_110 = tpu.memref_slice %arg6[%dma_start3A_108, %dma_start3A_109] : memref<2560x16xf32, #tpu.memory_space<vmem>> -> memref<128x16xf32, #tpu.memory_space<vmem>>
      %dma_start3A_111 = arith.constant 0 : i32
      %dma_start3A_112 = tpu.memref_slice %arg5[%dma_start3A_107, %dma_start3A_111] : memref<20x128xi32, #tpu.memory_space<vmem>> -> memref<1x128xi32, #tpu.memory_space<vmem>>
      %dma_start3A_113 = tpu.memref_squeeze %dma_start3A_112 : memref<1x128xi32, #tpu.memory_space<vmem>> -> memref<128xi32, #tpu.memory_space<vmem>>
      %dma_start3A_114 = arith.constant 0 : i32
      %dma_start3A_115 = arith.constant 0 : i32
      %dma_start3A_116 = tpu.memref_slice %arg3[%dma_start3A_114, %dma_start3A_115] : memref<1007616x16xf32, #tpu.memory_space<hbm>> -> memref<1007616x16xf32, #tpu.memory_space<hbm>>
      tpu.enqueue_indirect_dma source(%dma_start3A_116 : memref<1007616x16xf32, #tpu.memory_space<hbm>>) target(%dma_start3A_110 : memref<128x16xf32, #tpu.memory_space<vmem>>) offsets(%dma_start3A_113 : memref<128xi32, #tpu.memory_space<vmem>>) semaphore(%arg9 : memref<!tpu.dma_semaphore, #tpu.memory_space<semaphore_mem>>)
      %dma_start3A_117 = arith.constant 10 : i32
      %dma_start3A_118 = arith.constant 1280 : i32
      %dma_start3A_119 = arith.constant 0 : i32
      %dma_start3A_120 = tpu.memref_slice %arg6[%dma_start3A_118, %dma_start3A_119] : memref<2560x16xf32, #tpu.memory_space<vmem>> -> memref<128x16xf32, #tpu.memory_space<vmem>>
      %dma_start3A_121 = arith.constant 0 : i32
      %dma_start3A_122 = tpu.memref_slice %arg5[%dma_start3A_117, %dma_start3A_121] : memref<20x128xi32, #tpu.memory_space<vmem>> -> memref<1x128xi32, #tpu.memory_space<vmem>>
      %dma_start3A_123 = tpu.memref_squeeze %dma_start3A_122 : memref<1x128xi32, #tpu.memory_space<vmem>> -> memref<128xi32, #tpu.memory_space<vmem>>
      %dma_start3A_124 = arith.constant 0 : i32
      %dma_start3A_125 = arith.constant 0 : i32
      %dma_start3A_126 = tpu.memref_slice %arg3[%dma_start3A_124, %dma_start3A_125] : memref<1007616x16xf32, #tpu.memory_space<hbm>> -> memref<1007616x16xf32, #tpu.memory_space<hbm>>
      tpu.enqueue_indirect_dma source(%dma_start3A_126 : memref<1007616x16xf32, #tpu.memory_space<hbm>>) target(%dma_start3A_120 : memref<128x16xf32, #tpu.memory_space<vmem>>) offsets(%dma_start3A_123 : memref<128xi32, #tpu.memory_space<vmem>>) semaphore(%arg9 : memref<!tpu.dma_semaphore, #tpu.memory_space<semaphore_mem>>)
      %dma_start3A_127 = arith.constant 11 : i32
      %dma_start3A_128 = arith.constant 1408 : i32
      %dma_start3A_129 = arith.constant 0 : i32
      %dma_start3A_130 = tpu.memref_slice %arg6[%dma_start3A_128, %dma_start3A_129] : memref<2560x16xf32, #tpu.memory_space<vmem>> -> memref<128x16xf32, #tpu.memory_space<vmem>>
      %dma_start3A_131 = arith.constant 0 : i32
      %dma_start3A_132 = tpu.memref_slice %arg5[%dma_start3A_127, %dma_start3A_131] : memref<20x128xi32, #tpu.memory_space<vmem>> -> memref<1x128xi32, #tpu.memory_space<vmem>>
      %dma_start3A_133 = tpu.memref_squeeze %dma_start3A_132 : memref<1x128xi32, #tpu.memory_space<vmem>> -> memref<128xi32, #tpu.memory_space<vmem>>
      %dma_start3A_134 = arith.constant 0 : i32
      %dma_start3A_135 = arith.constant 0 : i32
      %dma_start3A_136 = tpu.memref_slice %arg3[%dma_start3A_134, %dma_start3A_135] : memref<1007616x16xf32, #tpu.memory_space<hbm>> -> memref<1007616x16xf32, #tpu.memory_space<hbm>>
      tpu.enqueue_indirect_dma source(%dma_start3A_136 : memref<1007616x16xf32, #tpu.memory_space<hbm>>) target(%dma_start3A_130 : memref<128x16xf32, #tpu.memory_space<vmem>>) offsets(%dma_start3A_133 : memref<128xi32, #tpu.memory_space<vmem>>) semaphore(%arg9 : memref<!tpu.dma_semaphore, #tpu.memory_space<semaphore_mem>>)
      %dma_start3A_137 = arith.constant 12 : i32
      %dma_start3A_138 = arith.constant 1536 : i32
      %dma_start3A_139 = arith.constant 0 : i32
      %dma_start3A_140 = tpu.memref_slice %arg6[%dma_start3A_138, %dma_start3A_139] : memref<2560x16xf32, #tpu.memory_space<vmem>> -> memref<128x16xf32, #tpu.memory_space<vmem>>
      %dma_start3A_141 = arith.constant 0 : i32
      %dma_start3A_142 = tpu.memref_slice %arg5[%dma_start3A_137, %dma_start3A_141] : memref<20x128xi32, #tpu.memory_space<vmem>> -> memref<1x128xi32, #tpu.memory_space<vmem>>
      %dma_start3A_143 = tpu.memref_squeeze %dma_start3A_142 : memref<1x128xi32, #tpu.memory_space<vmem>> -> memref<128xi32, #tpu.memory_space<vmem>>
      %dma_start3A_144 = arith.constant 0 : i32
      %dma_start3A_145 = arith.constant 0 : i32
      %dma_start3A_146 = tpu.memref_slice %arg3[%dma_start3A_144, %dma_start3A_145] : memref<1007616x16xf32, #tpu.memory_space<hbm>> -> memref<1007616x16xf32, #tpu.memory_space<hbm>>
      tpu.enqueue_indirect_dma source(%dma_start3A_146 : memref<1007616x16xf32, #tpu.memory_space<hbm>>) target(%dma_start3A_140 : memref<128x16xf32, #tpu.memory_space<vmem>>) offsets(%dma_start3A_143 : memref<128xi32, #tpu.memory_space<vmem>>) semaphore(%arg9 : memref<!tpu.dma_semaphore, #tpu.memory_space<semaphore_mem>>)
      %dma_start3A_147 = arith.constant 13 : i32
      %dma_start3A_148 = arith.constant 1664 : i32
      %dma_start3A_149 = arith.constant 0 : i32
      %dma_start3A_150 = tpu.memref_slice %arg6[%dma_start3A_148, %dma_start3A_149] : memref<2560x16xf32, #tpu.memory_space<vmem>> -> memref<128x16xf32, #tpu.memory_space<vmem>>
      %dma_start3A_151 = arith.constant 0 : i32
      %dma_start3A_152 = tpu.memref_slice %arg5[%dma_start3A_147, %dma_start3A_151] : memref<20x128xi32, #tpu.memory_space<vmem>> -> memref<1x128xi32, #tpu.memory_space<vmem>>
      %dma_start3A_153 = tpu.memref_squeeze %dma_start3A_152 : memref<1x128xi32, #tpu.memory_space<vmem>> -> memref<128xi32, #tpu.memory_space<vmem>>
      %dma_start3A_154 = arith.constant 0 : i32
      %dma_start3A_155 = arith.constant 0 : i32
      %dma_start3A_156 = tpu.memref_slice %arg3[%dma_start3A_154, %dma_start3A_155] : memref<1007616x16xf32, #tpu.memory_space<hbm>> -> memref<1007616x16xf32, #tpu.memory_space<hbm>>
      tpu.enqueue_indirect_dma source(%dma_start3A_156 : memref<1007616x16xf32, #tpu.memory_space<hbm>>) target(%dma_start3A_150 : memref<128x16xf32, #tpu.memory_space<vmem>>) offsets(%dma_start3A_153 : memref<128xi32, #tpu.memory_space<vmem>>) semaphore(%arg9 : memref<!tpu.dma_semaphore, #tpu.memory_space<semaphore_mem>>)
      %dma_start3A_157 = arith.constant 14 : i32
      %dma_start3A_158 = arith.constant 1792 : i32
      %dma_start3A_159 = arith.constant 0 : i32
      %dma_start3A_160 = tpu.memref_slice %arg6[%dma_start3A_158, %dma_start3A_159] : memref<2560x16xf32, #tpu.memory_space<vmem>> -> memref<128x16xf32, #tpu.memory_space<vmem>>
      %dma_start3A_161 = arith.constant 0 : i32
      %dma_start3A_162 = tpu.memref_slice %arg5[%dma_start3A_157, %dma_start3A_161] : memref<20x128xi32, #tpu.memory_space<vmem>> -> memref<1x128xi32, #tpu.memory_space<vmem>>
      %dma_start3A_163 = tpu.memref_squeeze %dma_start3A_162 : memref<1x128xi32, #tpu.memory_space<vmem>> -> memref<128xi32, #tpu.memory_space<vmem>>
      %dma_start3A_164 = arith.constant 0 : i32
      %dma_start3A_165 = arith.constant 0 : i32
      %dma_start3A_166 = tpu.memref_slice %arg3[%dma_start3A_164, %dma_start3A_165] : memref<1007616x16xf32, #tpu.memory_space<hbm>> -> memref<1007616x16xf32, #tpu.memory_space<hbm>>
      tpu.enqueue_indirect_dma source(%dma_start3A_166 : memref<1007616x16xf32, #tpu.memory_space<hbm>>) target(%dma_start3A_160 : memref<128x16xf32, #tpu.memory_space<vmem>>) offsets(%dma_start3A_163 : memref<128xi32, #tpu.memory_space<vmem>>) semaphore(%arg9 : memref<!tpu.dma_semaphore, #tpu.memory_space<semaphore_mem>>)
      %dma_start3A_167 = arith.constant 15 : i32
      %dma_start3A_168 = arith.constant 1920 : i32
      %dma_start3A_169 = arith.constant 0 : i32
      %dma_start3A_170 = tpu.memref_slice %arg6[%dma_start3A_168, %dma_start3A_169] : memref<2560x16xf32, #tpu.memory_space<vmem>> -> memref<128x16xf32, #tpu.memory_space<vmem>>
      %dma_start3A_171 = arith.constant 0 : i32
      %dma_start3A_172 = tpu.memref_slice %arg5[%dma_start3A_167, %dma_start3A_171] : memref<20x128xi32, #tpu.memory_space<vmem>> -> memref<1x128xi32, #tpu.memory_space<vmem>>
      %dma_start3A_173 = tpu.memref_squeeze %dma_start3A_172 : memref<1x128xi32, #tpu.memory_space<vmem>> -> memref<128xi32, #tpu.memory_space<vmem>>
      %dma_start3A_174 = arith.constant 0 : i32
      %dma_start3A_175 = arith.constant 0 : i32
      %dma_start3A_176 = tpu.memref_slice %arg3[%dma_start3A_174, %dma_start3A_175] : memref<1007616x16xf32, #tpu.memory_space<hbm>> -> memref<1007616x16xf32, #tpu.memory_space<hbm>>
      tpu.enqueue_indirect_dma source(%dma_start3A_176 : memref<1007616x16xf32, #tpu.memory_space<hbm>>) target(%dma_start3A_170 : memref<128x16xf32, #tpu.memory_space<vmem>>) offsets(%dma_start3A_173 : memref<128xi32, #tpu.memory_space<vmem>>) semaphore(%arg9 : memref<!tpu.dma_semaphore, #tpu.memory_space<semaphore_mem>>)
      %dma_start3A_177 = arith.constant 16 : i32
      %dma_start3A_178 = arith.constant 2048 : i32
      %dma_start3A_179 = arith.constant 0 : i32
      %dma_start3A_180 = tpu.memref_slice %arg6[%dma_start3A_178, %dma_start3A_179] : memref<2560x16xf32, #tpu.memory_space<vmem>> -> memref<128x16xf32, #tpu.memory_space<vmem>>
      %dma_start3A_181 = arith.constant 0 : i32
      %dma_start3A_182 = tpu.memref_slice %arg5[%dma_start3A_177, %dma_start3A_181] : memref<20x128xi32, #tpu.memory_space<vmem>> -> memref<1x128xi32, #tpu.memory_space<vmem>>
      %dma_start3A_183 = tpu.memref_squeeze %dma_start3A_182 : memref<1x128xi32, #tpu.memory_space<vmem>> -> memref<128xi32, #tpu.memory_space<vmem>>
      %dma_start3A_184 = arith.constant 0 : i32
      %dma_start3A_185 = arith.constant 0 : i32
      %dma_start3A_186 = tpu.memref_slice %arg3[%dma_start3A_184, %dma_start3A_185] : memref<1007616x16xf32, #tpu.memory_space<hbm>> -> memref<1007616x16xf32, #tpu.memory_space<hbm>>
      tpu.enqueue_indirect_dma source(%dma_start3A_186 : memref<1007616x16xf32, #tpu.memory_space<hbm>>) target(%dma_start3A_180 : memref<128x16xf32, #tpu.memory_space<vmem>>) offsets(%dma_start3A_183 : memref<128xi32, #tpu.memory_space<vmem>>) semaphore(%arg9 : memref<!tpu.dma_semaphore, #tpu.memory_space<semaphore_mem>>)
      %dma_start3A_187 = arith.constant 17 : i32
      %dma_start3A_188 = arith.constant 2176 : i32
      %dma_start3A_189 = arith.constant 0 : i32
      %dma_start3A_190 = tpu.memref_slice %arg6[%dma_start3A_188, %dma_start3A_189] : memref<2560x16xf32, #tpu.memory_space<vmem>> -> memref<128x16xf32, #tpu.memory_space<vmem>>
      %dma_start3A_191 = arith.constant 0 : i32
      %dma_start3A_192 = tpu.memref_slice %arg5[%dma_start3A_187, %dma_start3A_191] : memref<20x128xi32, #tpu.memory_space<vmem>> -> memref<1x128xi32, #tpu.memory_space<vmem>>
      %dma_start3A_193 = tpu.memref_squeeze %dma_start3A_192 : memref<1x128xi32, #tpu.memory_space<vmem>> -> memref<128xi32, #tpu.memory_space<vmem>>
      %dma_start3A_194 = arith.constant 0 : i32
      %dma_start3A_195 = arith.constant 0 : i32
      %dma_start3A_196 = tpu.memref_slice %arg3[%dma_start3A_194, %dma_start3A_195] : memref<1007616x16xf32, #tpu.memory_space<hbm>> -> memref<1007616x16xf32, #tpu.memory_space<hbm>>
      tpu.enqueue_indirect_dma source(%dma_start3A_196 : memref<1007616x16xf32, #tpu.memory_space<hbm>>) target(%dma_start3A_190 : memref<128x16xf32, #tpu.memory_space<vmem>>) offsets(%dma_start3A_193 : memref<128xi32, #tpu.memory_space<vmem>>) semaphore(%arg9 : memref<!tpu.dma_semaphore, #tpu.memory_space<semaphore_mem>>)
      %dma_start3A_197 = arith.constant 18 : i32
      %dma_start3A_198 = arith.constant 2304 : i32
      %dma_start3A_199 = arith.constant 0 : i32
      %dma_start3A_200 = tpu.memref_slice %arg6[%dma_start3A_198, %dma_start3A_199] : memref<2560x16xf32, #tpu.memory_space<vmem>> -> memref<128x16xf32, #tpu.memory_space<vmem>>
      %dma_start3A_201 = arith.constant 0 : i32
      %dma_start3A_202 = tpu.memref_slice %arg5[%dma_start3A_197, %dma_start3A_201] : memref<20x128xi32, #tpu.memory_space<vmem>> -> memref<1x128xi32, #tpu.memory_space<vmem>>
      %dma_start3A_203 = tpu.memref_squeeze %dma_start3A_202 : memref<1x128xi32, #tpu.memory_space<vmem>> -> memref<128xi32, #tpu.memory_space<vmem>>
      %dma_start3A_204 = arith.constant 0 : i32
      %dma_start3A_205 = arith.constant 0 : i32
      %dma_start3A_206 = tpu.memref_slice %arg3[%dma_start3A_204, %dma_start3A_205] : memref<1007616x16xf32, #tpu.memory_space<hbm>> -> memref<1007616x16xf32, #tpu.memory_space<hbm>>
      tpu.enqueue_indirect_dma source(%dma_start3A_206 : memref<1007616x16xf32, #tpu.memory_space<hbm>>) target(%dma_start3A_200 : memref<128x16xf32, #tpu.memory_space<vmem>>) offsets(%dma_start3A_203 : memref<128xi32, #tpu.memory_space<vmem>>) semaphore(%arg9 : memref<!tpu.dma_semaphore, #tpu.memory_space<semaphore_mem>>)
      %dma_start3A_207 = arith.constant 19 : i32
      %dma_start3A_208 = arith.constant 2432 : i32
      %dma_start3A_209 = arith.constant 0 : i32
      %dma_start3A_210 = tpu.memref_slice %arg6[%dma_start3A_208, %dma_start3A_209] : memref<2560x16xf32, #tpu.memory_space<vmem>> -> memref<128x16xf32, #tpu.memory_space<vmem>>
      %dma_start3A_211 = arith.constant 0 : i32
      %dma_start3A_212 = tpu.memref_slice %arg5[%dma_start3A_207, %dma_start3A_211] : memref<20x128xi32, #tpu.memory_space<vmem>> -> memref<1x128xi32, #tpu.memory_space<vmem>>
      %dma_start3A_213 = tpu.memref_squeeze %dma_start3A_212 : memref<1x128xi32, #tpu.memory_space<vmem>> -> memref<128xi32, #tpu.memory_space<vmem>>
      %dma_start3A_214 = arith.constant 0 : i32
      %dma_start3A_215 = arith.constant 0 : i32
      %dma_start3A_216 = tpu.memref_slice %arg3[%dma_start3A_214, %dma_start3A_215] : memref<1007616x16xf32, #tpu.memory_space<hbm>> -> memref<1007616x16xf32, #tpu.memory_space<hbm>>
      tpu.enqueue_indirect_dma source(%dma_start3A_216 : memref<1007616x16xf32, #tpu.memory_space<hbm>>) target(%dma_start3A_210 : memref<128x16xf32, #tpu.memory_space<vmem>>) offsets(%dma_start3A_213 : memref<128xi32, #tpu.memory_space<vmem>>) semaphore(%arg9 : memref<!tpu.dma_semaphore, #tpu.memory_space<semaphore_mem>>)
      %dma_wait3A = arith.constant 0 : i32
      %dma_wait3A_217 = arith.constant 0 : i32
      %dma_wait3A_218 = arith.constant 0 : i32
      %dma_wait3A_219 = tpu.memref_slice %arg6[%dma_wait3A_217, %dma_wait3A_218] : memref<2560x16xf32, #tpu.memory_space<vmem>> -> memref<128x16xf32, #tpu.memory_space<vmem>>
      %dma_wait3A_220 = arith.constant 0 : i32
      %dma_wait3A_221 = tpu.memref_slice %arg5[%dma_wait3A, %dma_wait3A_220] : memref<20x128xi32, #tpu.memory_space<vmem>> -> memref<1x128xi32, #tpu.memory_space<vmem>>
      %dma_wait3A_222 = tpu.memref_squeeze %dma_wait3A_221 : memref<1x128xi32, #tpu.memory_space<vmem>> -> memref<128xi32, #tpu.memory_space<vmem>>
      %dma_wait3A_223 = arith.constant 0 : i32
      %dma_wait3A_224 = arith.constant 0 : i32
      %dma_wait3A_225 = tpu.memref_slice %arg3[%dma_wait3A_223, %dma_wait3A_224] : memref<1007616x16xf32, #tpu.memory_space<hbm>> -> memref<1007616x16xf32, #tpu.memory_space<hbm>>
      tpu.wait_indirect_dma semaphore(%arg9 : memref<!tpu.dma_semaphore, #tpu.memory_space<semaphore_mem>>) src(%dma_wait3A_225 : memref<1007616x16xf32, #tpu.memory_space<hbm>>) dst(%dma_wait3A_219 : memref<128x16xf32, #tpu.memory_space<vmem>>)
      %dma_wait3A_226 = arith.constant 1 : i32
      %dma_wait3A_227 = arith.constant 128 : i32
      %dma_wait3A_228 = arith.constant 0 : i32
      %dma_wait3A_229 = tpu.memref_slice %arg6[%dma_wait3A_227, %dma_wait3A_228] : memref<2560x16xf32, #tpu.memory_space<vmem>> -> memref<128x16xf32, #tpu.memory_space<vmem>>
      %dma_wait3A_230 = arith.constant 0 : i32
      %dma_wait3A_231 = tpu.memref_slice %arg5[%dma_wait3A_226, %dma_wait3A_230] : memref<20x128xi32, #tpu.memory_space<vmem>> -> memref<1x128xi32, #tpu.memory_space<vmem>>
      %dma_wait3A_232 = tpu.memref_squeeze %dma_wait3A_231 : memref<1x128xi32, #tpu.memory_space<vmem>> -> memref<128xi32, #tpu.memory_space<vmem>>
      %dma_wait3A_233 = arith.constant 0 : i32
      %dma_wait3A_234 = arith.constant 0 : i32
      %dma_wait3A_235 = tpu.memref_slice %arg3[%dma_wait3A_233, %dma_wait3A_234] : memref<1007616x16xf32, #tpu.memory_space<hbm>> -> memref<1007616x16xf32, #tpu.memory_space<hbm>>
      tpu.wait_indirect_dma semaphore(%arg9 : memref<!tpu.dma_semaphore, #tpu.memory_space<semaphore_mem>>) src(%dma_wait3A_235 : memref<1007616x16xf32, #tpu.memory_space<hbm>>) dst(%dma_wait3A_229 : memref<128x16xf32, #tpu.memory_space<vmem>>)
      %dma_wait3A_236 = arith.constant 2 : i32
      %dma_wait3A_237 = arith.constant 256 : i32
      %dma_wait3A_238 = arith.constant 0 : i32
      %dma_wait3A_239 = tpu.memref_slice %arg6[%dma_wait3A_237, %dma_wait3A_238] : memref<2560x16xf32, #tpu.memory_space<vmem>> -> memref<128x16xf32, #tpu.memory_space<vmem>>
      %dma_wait3A_240 = arith.constant 0 : i32
      %dma_wait3A_241 = tpu.memref_slice %arg5[%dma_wait3A_236, %dma_wait3A_240] : memref<20x128xi32, #tpu.memory_space<vmem>> -> memref<1x128xi32, #tpu.memory_space<vmem>>
      %dma_wait3A_242 = tpu.memref_squeeze %dma_wait3A_241 : memref<1x128xi32, #tpu.memory_space<vmem>> -> memref<128xi32, #tpu.memory_space<vmem>>
      %dma_wait3A_243 = arith.constant 0 : i32
      %dma_wait3A_244 = arith.constant 0 : i32
      %dma_wait3A_245 = tpu.memref_slice %arg3[%dma_wait3A_243, %dma_wait3A_244] : memref<1007616x16xf32, #tpu.memory_space<hbm>> -> memref<1007616x16xf32, #tpu.memory_space<hbm>>
      tpu.wait_indirect_dma semaphore(%arg9 : memref<!tpu.dma_semaphore, #tpu.memory_space<semaphore_mem>>) src(%dma_wait3A_245 : memref<1007616x16xf32, #tpu.memory_space<hbm>>) dst(%dma_wait3A_239 : memref<128x16xf32, #tpu.memory_space<vmem>>)
      %dma_wait3A_246 = arith.constant 3 : i32
      %dma_wait3A_247 = arith.constant 384 : i32
      %dma_wait3A_248 = arith.constant 0 : i32
      %dma_wait3A_249 = tpu.memref_slice %arg6[%dma_wait3A_247, %dma_wait3A_248] : memref<2560x16xf32, #tpu.memory_space<vmem>> -> memref<128x16xf32, #tpu.memory_space<vmem>>
      %dma_wait3A_250 = arith.constant 0 : i32
      %dma_wait3A_251 = tpu.memref_slice %arg5[%dma_wait3A_246, %dma_wait3A_250] : memref<20x128xi32, #tpu.memory_space<vmem>> -> memref<1x128xi32, #tpu.memory_space<vmem>>
      %dma_wait3A_252 = tpu.memref_squeeze %dma_wait3A_251 : memref<1x128xi32, #tpu.memory_space<vmem>> -> memref<128xi32, #tpu.memory_space<vmem>>
      %dma_wait3A_253 = arith.constant 0 : i32
      %dma_wait3A_254 = arith.constant 0 : i32
      %dma_wait3A_255 = tpu.memref_slice %arg3[%dma_wait3A_253, %dma_wait3A_254] : memref<1007616x16xf32, #tpu.memory_space<hbm>> -> memref<1007616x16xf32, #tpu.memory_space<hbm>>
      tpu.wait_indirect_dma semaphore(%arg9 : memref<!tpu.dma_semaphore, #tpu.memory_space<semaphore_mem>>) src(%dma_wait3A_255 : memref<1007616x16xf32, #tpu.memory_space<hbm>>) dst(%dma_wait3A_249 : memref<128x16xf32, #tpu.memory_space<vmem>>)
      %dma_wait3A_256 = arith.constant 4 : i32
      %dma_wait3A_257 = arith.constant 512 : i32
      %dma_wait3A_258 = arith.constant 0 : i32
      %dma_wait3A_259 = tpu.memref_slice %arg6[%dma_wait3A_257, %dma_wait3A_258] : memref<2560x16xf32, #tpu.memory_space<vmem>> -> memref<128x16xf32, #tpu.memory_space<vmem>>
      %dma_wait3A_260 = arith.constant 0 : i32
      %dma_wait3A_261 = tpu.memref_slice %arg5[%dma_wait3A_256, %dma_wait3A_260] : memref<20x128xi32, #tpu.memory_space<vmem>> -> memref<1x128xi32, #tpu.memory_space<vmem>>
      %dma_wait3A_262 = tpu.memref_squeeze %dma_wait3A_261 : memref<1x128xi32, #tpu.memory_space<vmem>> -> memref<128xi32, #tpu.memory_space<vmem>>
      %dma_wait3A_263 = arith.constant 0 : i32
      %dma_wait3A_264 = arith.constant 0 : i32
      %dma_wait3A_265 = tpu.memref_slice %arg3[%dma_wait3A_263, %dma_wait3A_264] : memref<1007616x16xf32, #tpu.memory_space<hbm>> -> memref<1007616x16xf32, #tpu.memory_space<hbm>>
      tpu.wait_indirect_dma semaphore(%arg9 : memref<!tpu.dma_semaphore, #tpu.memory_space<semaphore_mem>>) src(%dma_wait3A_265 : memref<1007616x16xf32, #tpu.memory_space<hbm>>) dst(%dma_wait3A_259 : memref<128x16xf32, #tpu.memory_space<vmem>>)
      %dma_wait3A_266 = arith.constant 5 : i32
      %dma_wait3A_267 = arith.constant 640 : i32
      %dma_wait3A_268 = arith.constant 0 : i32
      %dma_wait3A_269 = tpu.memref_slice %arg6[%dma_wait3A_267, %dma_wait3A_268] : memref<2560x16xf32, #tpu.memory_space<vmem>> -> memref<128x16xf32, #tpu.memory_space<vmem>>
      %dma_wait3A_270 = arith.constant 0 : i32
      %dma_wait3A_271 = tpu.memref_slice %arg5[%dma_wait3A_266, %dma_wait3A_270] : memref<20x128xi32, #tpu.memory_space<vmem>> -> memref<1x128xi32, #tpu.memory_space<vmem>>
      %dma_wait3A_272 = tpu.memref_squeeze %dma_wait3A_271 : memref<1x128xi32, #tpu.memory_space<vmem>> -> memref<128xi32, #tpu.memory_space<vmem>>
      %dma_wait3A_273 = arith.constant 0 : i32
      %dma_wait3A_274 = arith.constant 0 : i32
      %dma_wait3A_275 = tpu.memref_slice %arg3[%dma_wait3A_273, %dma_wait3A_274] : memref<1007616x16xf32, #tpu.memory_space<hbm>> -> memref<1007616x16xf32, #tpu.memory_space<hbm>>
      tpu.wait_indirect_dma semaphore(%arg9 : memref<!tpu.dma_semaphore, #tpu.memory_space<semaphore_mem>>) src(%dma_wait3A_275 : memref<1007616x16xf32, #tpu.memory_space<hbm>>) dst(%dma_wait3A_269 : memref<128x16xf32, #tpu.memory_space<vmem>>)
      %dma_wait3A_276 = arith.constant 6 : i32
      %dma_wait3A_277 = arith.constant 768 : i32
      %dma_wait3A_278 = arith.constant 0 : i32
      %dma_wait3A_279 = tpu.memref_slice %arg6[%dma_wait3A_277, %dma_wait3A_278] : memref<2560x16xf32, #tpu.memory_space<vmem>> -> memref<128x16xf32, #tpu.memory_space<vmem>>
      %dma_wait3A_280 = arith.constant 0 : i32
      %dma_wait3A_281 = tpu.memref_slice %arg5[%dma_wait3A_276, %dma_wait3A_280] : memref<20x128xi32, #tpu.memory_space<vmem>> -> memref<1x128xi32, #tpu.memory_space<vmem>>
      %dma_wait3A_282 = tpu.memref_squeeze %dma_wait3A_281 : memref<1x128xi32, #tpu.memory_space<vmem>> -> memref<128xi32, #tpu.memory_space<vmem>>
      %dma_wait3A_283 = arith.constant 0 : i32
      %dma_wait3A_284 = arith.constant 0 : i32
      %dma_wait3A_285 = tpu.memref_slice %arg3[%dma_wait3A_283, %dma_wait3A_284] : memref<1007616x16xf32, #tpu.memory_space<hbm>> -> memref<1007616x16xf32, #tpu.memory_space<hbm>>
      tpu.wait_indirect_dma semaphore(%arg9 : memref<!tpu.dma_semaphore, #tpu.memory_space<semaphore_mem>>) src(%dma_wait3A_285 : memref<1007616x16xf32, #tpu.memory_space<hbm>>) dst(%dma_wait3A_279 : memref<128x16xf32, #tpu.memory_space<vmem>>)
      %dma_wait3A_286 = arith.constant 7 : i32
      %dma_wait3A_287 = arith.constant 896 : i32
      %dma_wait3A_288 = arith.constant 0 : i32
      %dma_wait3A_289 = tpu.memref_slice %arg6[%dma_wait3A_287, %dma_wait3A_288] : memref<2560x16xf32, #tpu.memory_space<vmem>> -> memref<128x16xf32, #tpu.memory_space<vmem>>
      %dma_wait3A_290 = arith.constant 0 : i32
      %dma_wait3A_291 = tpu.memref_slice %arg5[%dma_wait3A_286, %dma_wait3A_290] : memref<20x128xi32, #tpu.memory_space<vmem>> -> memref<1x128xi32, #tpu.memory_space<vmem>>
      %dma_wait3A_292 = tpu.memref_squeeze %dma_wait3A_291 : memref<1x128xi32, #tpu.memory_space<vmem>> -> memref<128xi32, #tpu.memory_space<vmem>>
      %dma_wait3A_293 = arith.constant 0 : i32
      %dma_wait3A_294 = arith.constant 0 : i32
      %dma_wait3A_295 = tpu.memref_slice %arg3[%dma_wait3A_293, %dma_wait3A_294] : memref<1007616x16xf32, #tpu.memory_space<hbm>> -> memref<1007616x16xf32, #tpu.memory_space<hbm>>
      tpu.wait_indirect_dma semaphore(%arg9 : memref<!tpu.dma_semaphore, #tpu.memory_space<semaphore_mem>>) src(%dma_wait3A_295 : memref<1007616x16xf32, #tpu.memory_space<hbm>>) dst(%dma_wait3A_289 : memref<128x16xf32, #tpu.memory_space<vmem>>)
      %dma_wait3A_296 = arith.constant 8 : i32
      %dma_wait3A_297 = arith.constant 1024 : i32
      %dma_wait3A_298 = arith.constant 0 : i32
      %dma_wait3A_299 = tpu.memref_slice %arg6[%dma_wait3A_297, %dma_wait3A_298] : memref<2560x16xf32, #tpu.memory_space<vmem>> -> memref<128x16xf32, #tpu.memory_space<vmem>>
      %dma_wait3A_300 = arith.constant 0 : i32
      %dma_wait3A_301 = tpu.memref_slice %arg5[%dma_wait3A_296, %dma_wait3A_300] : memref<20x128xi32, #tpu.memory_space<vmem>> -> memref<1x128xi32, #tpu.memory_space<vmem>>
      %dma_wait3A_302 = tpu.memref_squeeze %dma_wait3A_301 : memref<1x128xi32, #tpu.memory_space<vmem>> -> memref<128xi32, #tpu.memory_space<vmem>>
      %dma_wait3A_303 = arith.constant 0 : i32
      %dma_wait3A_304 = arith.constant 0 : i32
      %dma_wait3A_305 = tpu.memref_slice %arg3[%dma_wait3A_303, %dma_wait3A_304] : memref<1007616x16xf32, #tpu.memory_space<hbm>> -> memref<1007616x16xf32, #tpu.memory_space<hbm>>
      tpu.wait_indirect_dma semaphore(%arg9 : memref<!tpu.dma_semaphore, #tpu.memory_space<semaphore_mem>>) src(%dma_wait3A_305 : memref<1007616x16xf32, #tpu.memory_space<hbm>>) dst(%dma_wait3A_299 : memref<128x16xf32, #tpu.memory_space<vmem>>)
      %dma_wait3A_306 = arith.constant 9 : i32
      %dma_wait3A_307 = arith.constant 1152 : i32
      %dma_wait3A_308 = arith.constant 0 : i32
      %dma_wait3A_309 = tpu.memref_slice %arg6[%dma_wait3A_307, %dma_wait3A_308] : memref<2560x16xf32, #tpu.memory_space<vmem>> -> memref<128x16xf32, #tpu.memory_space<vmem>>
      %dma_wait3A_310 = arith.constant 0 : i32
      %dma_wait3A_311 = tpu.memref_slice %arg5[%dma_wait3A_306, %dma_wait3A_310] : memref<20x128xi32, #tpu.memory_space<vmem>> -> memref<1x128xi32, #tpu.memory_space<vmem>>
      %dma_wait3A_312 = tpu.memref_squeeze %dma_wait3A_311 : memref<1x128xi32, #tpu.memory_space<vmem>> -> memref<128xi32, #tpu.memory_space<vmem>>
      %dma_wait3A_313 = arith.constant 0 : i32
      %dma_wait3A_314 = arith.constant 0 : i32
      %dma_wait3A_315 = tpu.memref_slice %arg3[%dma_wait3A_313, %dma_wait3A_314] : memref<1007616x16xf32, #tpu.memory_space<hbm>> -> memref<1007616x16xf32, #tpu.memory_space<hbm>>
      tpu.wait_indirect_dma semaphore(%arg9 : memref<!tpu.dma_semaphore, #tpu.memory_space<semaphore_mem>>) src(%dma_wait3A_315 : memref<1007616x16xf32, #tpu.memory_space<hbm>>) dst(%dma_wait3A_309 : memref<128x16xf32, #tpu.memory_space<vmem>>)
      %dma_wait3A_316 = arith.constant 10 : i32
      %dma_wait3A_317 = arith.constant 1280 : i32
      %dma_wait3A_318 = arith.constant 0 : i32
      %dma_wait3A_319 = tpu.memref_slice %arg6[%dma_wait3A_317, %dma_wait3A_318] : memref<2560x16xf32, #tpu.memory_space<vmem>> -> memref<128x16xf32, #tpu.memory_space<vmem>>
      %dma_wait3A_320 = arith.constant 0 : i32
      %dma_wait3A_321 = tpu.memref_slice %arg5[%dma_wait3A_316, %dma_wait3A_320] : memref<20x128xi32, #tpu.memory_space<vmem>> -> memref<1x128xi32, #tpu.memory_space<vmem>>
      %dma_wait3A_322 = tpu.memref_squeeze %dma_wait3A_321 : memref<1x128xi32, #tpu.memory_space<vmem>> -> memref<128xi32, #tpu.memory_space<vmem>>
      %dma_wait3A_323 = arith.constant 0 : i32
      %dma_wait3A_324 = arith.constant 0 : i32
      %dma_wait3A_325 = tpu.memref_slice %arg3[%dma_wait3A_323, %dma_wait3A_324] : memref<1007616x16xf32, #tpu.memory_space<hbm>> -> memref<1007616x16xf32, #tpu.memory_space<hbm>>
      tpu.wait_indirect_dma semaphore(%arg9 : memref<!tpu.dma_semaphore, #tpu.memory_space<semaphore_mem>>) src(%dma_wait3A_325 : memref<1007616x16xf32, #tpu.memory_space<hbm>>) dst(%dma_wait3A_319 : memref<128x16xf32, #tpu.memory_space<vmem>>)
      %dma_wait3A_326 = arith.constant 11 : i32
      %dma_wait3A_327 = arith.constant 1408 : i32
      %dma_wait3A_328 = arith.constant 0 : i32
      %dma_wait3A_329 = tpu.memref_slice %arg6[%dma_wait3A_327, %dma_wait3A_328] : memref<2560x16xf32, #tpu.memory_space<vmem>> -> memref<128x16xf32, #tpu.memory_space<vmem>>
      %dma_wait3A_330 = arith.constant 0 : i32
      %dma_wait3A_331 = tpu.memref_slice %arg5[%dma_wait3A_326, %dma_wait3A_330] : memref<20x128xi32, #tpu.memory_space<vmem>> -> memref<1x128xi32, #tpu.memory_space<vmem>>
      %dma_wait3A_332 = tpu.memref_squeeze %dma_wait3A_331 : memref<1x128xi32, #tpu.memory_space<vmem>> -> memref<128xi32, #tpu.memory_space<vmem>>
      %dma_wait3A_333 = arith.constant 0 : i32
      %dma_wait3A_334 = arith.constant 0 : i32
      %dma_wait3A_335 = tpu.memref_slice %arg3[%dma_wait3A_333, %dma_wait3A_334] : memref<1007616x16xf32, #tpu.memory_space<hbm>> -> memref<1007616x16xf32, #tpu.memory_space<hbm>>
      tpu.wait_indirect_dma semaphore(%arg9 : memref<!tpu.dma_semaphore, #tpu.memory_space<semaphore_mem>>) src(%dma_wait3A_335 : memref<1007616x16xf32, #tpu.memory_space<hbm>>) dst(%dma_wait3A_329 : memref<128x16xf32, #tpu.memory_space<vmem>>)
      %dma_wait3A_336 = arith.constant 12 : i32
      %dma_wait3A_337 = arith.constant 1536 : i32
      %dma_wait3A_338 = arith.constant 0 : i32
      %dma_wait3A_339 = tpu.memref_slice %arg6[%dma_wait3A_337, %dma_wait3A_338] : memref<2560x16xf32, #tpu.memory_space<vmem>> -> memref<128x16xf32, #tpu.memory_space<vmem>>
      %dma_wait3A_340 = arith.constant 0 : i32
      %dma_wait3A_341 = tpu.memref_slice %arg5[%dma_wait3A_336, %dma_wait3A_340] : memref<20x128xi32, #tpu.memory_space<vmem>> -> memref<1x128xi32, #tpu.memory_space<vmem>>
      %dma_wait3A_342 = tpu.memref_squeeze %dma_wait3A_341 : memref<1x128xi32, #tpu.memory_space<vmem>> -> memref<128xi32, #tpu.memory_space<vmem>>
      %dma_wait3A_343 = arith.constant 0 : i32
      %dma_wait3A_344 = arith.constant 0 : i32
      %dma_wait3A_345 = tpu.memref_slice %arg3[%dma_wait3A_343, %dma_wait3A_344] : memref<1007616x16xf32, #tpu.memory_space<hbm>> -> memref<1007616x16xf32, #tpu.memory_space<hbm>>
      tpu.wait_indirect_dma semaphore(%arg9 : memref<!tpu.dma_semaphore, #tpu.memory_space<semaphore_mem>>) src(%dma_wait3A_345 : memref<1007616x16xf32, #tpu.memory_space<hbm>>) dst(%dma_wait3A_339 : memref<128x16xf32, #tpu.memory_space<vmem>>)
      %dma_wait3A_346 = arith.constant 13 : i32
      %dma_wait3A_347 = arith.constant 1664 : i32
      %dma_wait3A_348 = arith.constant 0 : i32
      %dma_wait3A_349 = tpu.memref_slice %arg6[%dma_wait3A_347, %dma_wait3A_348] : memref<2560x16xf32, #tpu.memory_space<vmem>> -> memref<128x16xf32, #tpu.memory_space<vmem>>
      %dma_wait3A_350 = arith.constant 0 : i32
      %dma_wait3A_351 = tpu.memref_slice %arg5[%dma_wait3A_346, %dma_wait3A_350] : memref<20x128xi32, #tpu.memory_space<vmem>> -> memref<1x128xi32, #tpu.memory_space<vmem>>
      %dma_wait3A_352 = tpu.memref_squeeze %dma_wait3A_351 : memref<1x128xi32, #tpu.memory_space<vmem>> -> memref<128xi32, #tpu.memory_space<vmem>>
      %dma_wait3A_353 = arith.constant 0 : i32
      %dma_wait3A_354 = arith.constant 0 : i32
      %dma_wait3A_355 = tpu.memref_slice %arg3[%dma_wait3A_353, %dma_wait3A_354] : memref<1007616x16xf32, #tpu.memory_space<hbm>> -> memref<1007616x16xf32, #tpu.memory_space<hbm>>
      tpu.wait_indirect_dma semaphore(%arg9 : memref<!tpu.dma_semaphore, #tpu.memory_space<semaphore_mem>>) src(%dma_wait3A_355 : memref<1007616x16xf32, #tpu.memory_space<hbm>>) dst(%dma_wait3A_349 : memref<128x16xf32, #tpu.memory_space<vmem>>)
      %dma_wait3A_356 = arith.constant 14 : i32
      %dma_wait3A_357 = arith.constant 1792 : i32
      %dma_wait3A_358 = arith.constant 0 : i32
      %dma_wait3A_359 = tpu.memref_slice %arg6[%dma_wait3A_357, %dma_wait3A_358] : memref<2560x16xf32, #tpu.memory_space<vmem>> -> memref<128x16xf32, #tpu.memory_space<vmem>>
      %dma_wait3A_360 = arith.constant 0 : i32
      %dma_wait3A_361 = tpu.memref_slice %arg5[%dma_wait3A_356, %dma_wait3A_360] : memref<20x128xi32, #tpu.memory_space<vmem>> -> memref<1x128xi32, #tpu.memory_space<vmem>>
      %dma_wait3A_362 = tpu.memref_squeeze %dma_wait3A_361 : memref<1x128xi32, #tpu.memory_space<vmem>> -> memref<128xi32, #tpu.memory_space<vmem>>
      %dma_wait3A_363 = arith.constant 0 : i32
      %dma_wait3A_364 = arith.constant 0 : i32
      %dma_wait3A_365 = tpu.memref_slice %arg3[%dma_wait3A_363, %dma_wait3A_364] : memref<1007616x16xf32, #tpu.memory_space<hbm>> -> memref<1007616x16xf32, #tpu.memory_space<hbm>>
      tpu.wait_indirect_dma semaphore(%arg9 : memref<!tpu.dma_semaphore, #tpu.memory_space<semaphore_mem>>) src(%dma_wait3A_365 : memref<1007616x16xf32, #tpu.memory_space<hbm>>) dst(%dma_wait3A_359 : memref<128x16xf32, #tpu.memory_space<vmem>>)
      %dma_wait3A_366 = arith.constant 15 : i32
      %dma_wait3A_367 = arith.constant 1920 : i32
      %dma_wait3A_368 = arith.constant 0 : i32
      %dma_wait3A_369 = tpu.memref_slice %arg6[%dma_wait3A_367, %dma_wait3A_368] : memref<2560x16xf32, #tpu.memory_space<vmem>> -> memref<128x16xf32, #tpu.memory_space<vmem>>
      %dma_wait3A_370 = arith.constant 0 : i32
      %dma_wait3A_371 = tpu.memref_slice %arg5[%dma_wait3A_366, %dma_wait3A_370] : memref<20x128xi32, #tpu.memory_space<vmem>> -> memref<1x128xi32, #tpu.memory_space<vmem>>
      %dma_wait3A_372 = tpu.memref_squeeze %dma_wait3A_371 : memref<1x128xi32, #tpu.memory_space<vmem>> -> memref<128xi32, #tpu.memory_space<vmem>>
      %dma_wait3A_373 = arith.constant 0 : i32
      %dma_wait3A_374 = arith.constant 0 : i32
      %dma_wait3A_375 = tpu.memref_slice %arg3[%dma_wait3A_373, %dma_wait3A_374] : memref<1007616x16xf32, #tpu.memory_space<hbm>> -> memref<1007616x16xf32, #tpu.memory_space<hbm>>
      tpu.wait_indirect_dma semaphore(%arg9 : memref<!tpu.dma_semaphore, #tpu.memory_space<semaphore_mem>>) src(%dma_wait3A_375 : memref<1007616x16xf32, #tpu.memory_space<hbm>>) dst(%dma_wait3A_369 : memref<128x16xf32, #tpu.memory_space<vmem>>)
      %dma_wait3A_376 = arith.constant 16 : i32
      %dma_wait3A_377 = arith.constant 2048 : i32
      %dma_wait3A_378 = arith.constant 0 : i32
      %dma_wait3A_379 = tpu.memref_slice %arg6[%dma_wait3A_377, %dma_wait3A_378] : memref<2560x16xf32, #tpu.memory_space<vmem>> -> memref<128x16xf32, #tpu.memory_space<vmem>>
      %dma_wait3A_380 = arith.constant 0 : i32
      %dma_wait3A_381 = tpu.memref_slice %arg5[%dma_wait3A_376, %dma_wait3A_380] : memref<20x128xi32, #tpu.memory_space<vmem>> -> memref<1x128xi32, #tpu.memory_space<vmem>>
      %dma_wait3A_382 = tpu.memref_squeeze %dma_wait3A_381 : memref<1x128xi32, #tpu.memory_space<vmem>> -> memref<128xi32, #tpu.memory_space<vmem>>
      %dma_wait3A_383 = arith.constant 0 : i32
      %dma_wait3A_384 = arith.constant 0 : i32
      %dma_wait3A_385 = tpu.memref_slice %arg3[%dma_wait3A_383, %dma_wait3A_384] : memref<1007616x16xf32, #tpu.memory_space<hbm>> -> memref<1007616x16xf32, #tpu.memory_space<hbm>>
      tpu.wait_indirect_dma semaphore(%arg9 : memref<!tpu.dma_semaphore, #tpu.memory_space<semaphore_mem>>) src(%dma_wait3A_385 : memref<1007616x16xf32, #tpu.memory_space<hbm>>) dst(%dma_wait3A_379 : memref<128x16xf32, #tpu.memory_space<vmem>>)
      %dma_wait3A_386 = arith.constant 17 : i32
      %dma_wait3A_387 = arith.constant 2176 : i32
      %dma_wait3A_388 = arith.constant 0 : i32
      %dma_wait3A_389 = tpu.memref_slice %arg6[%dma_wait3A_387, %dma_wait3A_388] : memref<2560x16xf32, #tpu.memory_space<vmem>> -> memref<128x16xf32, #tpu.memory_space<vmem>>
      %dma_wait3A_390 = arith.constant 0 : i32
      %dma_wait3A_391 = tpu.memref_slice %arg5[%dma_wait3A_386, %dma_wait3A_390] : memref<20x128xi32, #tpu.memory_space<vmem>> -> memref<1x128xi32, #tpu.memory_space<vmem>>
      %dma_wait3A_392 = tpu.memref_squeeze %dma_wait3A_391 : memref<1x128xi32, #tpu.memory_space<vmem>> -> memref<128xi32, #tpu.memory_space<vmem>>
      %dma_wait3A_393 = arith.constant 0 : i32
      %dma_wait3A_394 = arith.constant 0 : i32
      %dma_wait3A_395 = tpu.memref_slice %arg3[%dma_wait3A_393, %dma_wait3A_394] : memref<1007616x16xf32, #tpu.memory_space<hbm>> -> memref<1007616x16xf32, #tpu.memory_space<hbm>>
      tpu.wait_indirect_dma semaphore(%arg9 : memref<!tpu.dma_semaphore, #tpu.memory_space<semaphore_mem>>) src(%dma_wait3A_395 : memref<1007616x16xf32, #tpu.memory_space<hbm>>) dst(%dma_wait3A_389 : memref<128x16xf32, #tpu.memory_space<vmem>>)
      %dma_wait3A_396 = arith.constant 18 : i32
      %dma_wait3A_397 = arith.constant 2304 : i32
      %dma_wait3A_398 = arith.constant 0 : i32
      %dma_wait3A_399 = tpu.memref_slice %arg6[%dma_wait3A_397, %dma_wait3A_398] : memref<2560x16xf32, #tpu.memory_space<vmem>> -> memref<128x16xf32, #tpu.memory_space<vmem>>
      %dma_wait3A_400 = arith.constant 0 : i32
      %dma_wait3A_401 = tpu.memref_slice %arg5[%dma_wait3A_396, %dma_wait3A_400] : memref<20x128xi32, #tpu.memory_space<vmem>> -> memref<1x128xi32, #tpu.memory_space<vmem>>
      %dma_wait3A_402 = tpu.memref_squeeze %dma_wait3A_401 : memref<1x128xi32, #tpu.memory_space<vmem>> -> memref<128xi32, #tpu.memory_space<vmem>>
      %dma_wait3A_403 = arith.constant 0 : i32
      %dma_wait3A_404 = arith.constant 0 : i32
      %dma_wait3A_405 = tpu.memref_slice %arg3[%dma_wait3A_403, %dma_wait3A_404] : memref<1007616x16xf32, #tpu.memory_space<hbm>> -> memref<1007616x16xf32, #tpu.memory_space<hbm>>
      tpu.wait_indirect_dma semaphore(%arg9 : memref<!tpu.dma_semaphore, #tpu.memory_space<semaphore_mem>>) src(%dma_wait3A_405 : memref<1007616x16xf32, #tpu.memory_space<hbm>>) dst(%dma_wait3A_399 : memref<128x16xf32, #tpu.memory_space<vmem>>)
      %dma_wait3A_406 = arith.constant 19 : i32
      %dma_wait3A_407 = arith.constant 2432 : i32
      %dma_wait3A_408 = arith.constant 0 : i32
      %dma_wait3A_409 = tpu.memref_slice %arg6[%dma_wait3A_407, %dma_wait3A_408] : memref<2560x16xf32, #tpu.memory_space<vmem>> -> memref<128x16xf32, #tpu.memory_space<vmem>>
      %dma_wait3A_410 = arith.constant 0 : i32
      %dma_wait3A_411 = tpu.memref_slice %arg5[%dma_wait3A_406, %dma_wait3A_410] : memref<20x128xi32, #tpu.memory_space<vmem>> -> memref<1x128xi32, #tpu.memory_space<vmem>>
      %dma_wait3A_412 = tpu.memref_squeeze %dma_wait3A_411 : memref<1x128xi32, #tpu.memory_space<vmem>> -> memref<128xi32, #tpu.memory_space<vmem>>
      %dma_wait3A_413 = arith.constant 0 : i32
      %dma_wait3A_414 = arith.constant 0 : i32
      %dma_wait3A_415 = tpu.memref_slice %arg3[%dma_wait3A_413, %dma_wait3A_414] : memref<1007616x16xf32, #tpu.memory_space<hbm>> -> memref<1007616x16xf32, #tpu.memory_space<hbm>>
      tpu.wait_indirect_dma semaphore(%arg9 : memref<!tpu.dma_semaphore, #tpu.memory_space<semaphore_mem>>) src(%dma_wait3A_415 : memref<1007616x16xf32, #tpu.memory_space<hbm>>) dst(%dma_wait3A_409 : memref<128x16xf32, #tpu.memory_space<vmem>>)
      %scan3A_416 = arith.constant 0 : i32
      %scan3A_417 = arith.constant 128 : i32
      %scan3A_418 = arith.addi %scan3A_416, %scan3A_417 : i32
      %scan3A_419 = arith.constant 1 : i32
      scf.for %scan3A_453 = %scan3A_416 to %scan3A_418 step %scan3A_419  : i32 {
        %mul3A_454 = arith.constant 1 : i32
        %mul3A_455 = arith.muli %scan3A_453, %mul3A_454 : i32
        %add3A_456 = arith.constant 0 : i32
        %add3A_457 = arith.addi %add3A_456, %mul3A_455 : i32
        %get3A = arith.index_cast %add3A_457 : i32 to index
        %get3A_458 = arith.constant 0 : index
        %get3A_459 = tpu.vector_load %arg6[%get3A, %get3A_458] {strides = array<i32>} : memref<2560x16xf32, #tpu.memory_space<vmem>>, vector<1x16xf32>,
        %get3A_460 = vector.shape_cast %get3A_459 : vector<1x16xf32> to vector<16xf32>
        %add3A_461 = arith.constant 128 : i32
        %add3A_462 = arith.addi %add3A_461, %add3A_457 : i32
        %get3A_463 = arith.index_cast %add3A_462 : i32 to index
        %get3A_464 = arith.constant 0 : index
        %get3A_465 = tpu.vector_load %arg6[%get3A_463, %get3A_464] {strides = array<i32>} : memref<2560x16xf32, #tpu.memory_space<vmem>>, vector<1x16xf32>,
        %get3A_466 = vector.shape_cast %get3A_465 : vector<1x16xf32> to vector<16xf32>
        %add3A_467 = arith.addf %get3A_460, %get3A_466 : vector<16xf32>
        %add3A_468 = arith.constant 256 : i32
        %add3A_469 = arith.addi %add3A_468, %add3A_457 : i32
        %get3A_470 = arith.index_cast %add3A_469 : i32 to index
        %get3A_471 = arith.constant 0 : index
        %get3A_472 = tpu.vector_load %arg6[%get3A_470, %get3A_471] {strides = array<i32>} : memref<2560x16xf32, #tpu.memory_space<vmem>>, vector<1x16xf32>,
        %get3A_473 = vector.shape_cast %get3A_472 : vector<1x16xf32> to vector<16xf32>
        %add3A_474 = arith.addf %add3A_467, %get3A_473 : vector<16xf32>
        %add3A_475 = arith.constant 384 : i32
        %add3A_476 = arith.addi %add3A_475, %add3A_457 : i32
        %get3A_477 = arith.index_cast %add3A_476 : i32 to index
        %get3A_478 = arith.constant 0 : index
        %get3A_479 = tpu.vector_load %arg6[%get3A_477, %get3A_478] {strides = array<i32>} : memref<2560x16xf32, #tpu.memory_space<vmem>>, vector<1x16xf32>,
        %get3A_480 = vector.shape_cast %get3A_479 : vector<1x16xf32> to vector<16xf32>
        %add3A_481 = arith.addf %add3A_474, %get3A_480 : vector<16xf32>
        %add3A_482 = arith.constant 512 : i32
        %add3A_483 = arith.addi %add3A_482, %add3A_457 : i32
        %get3A_484 = arith.index_cast %add3A_483 : i32 to index
        %get3A_485 = arith.constant 0 : index
        %get3A_486 = tpu.vector_load %arg6[%get3A_484, %get3A_485] {strides = array<i32>} : memref<2560x16xf32, #tpu.memory_space<vmem>>, vector<1x16xf32>,
        %get3A_487 = vector.shape_cast %get3A_486 : vector<1x16xf32> to vector<16xf32>
        %add3A_488 = arith.addf %add3A_481, %get3A_487 : vector<16xf32>
        %add3A_489 = arith.constant 640 : i32
        %add3A_490 = arith.addi %add3A_489, %add3A_457 : i32
        %get3A_491 = arith.index_cast %add3A_490 : i32 to index
        %get3A_492 = arith.constant 0 : index
        %get3A_493 = tpu.vector_load %arg6[%get3A_491, %get3A_492] {strides = array<i32>} : memref<2560x16xf32, #tpu.memory_space<vmem>>, vector<1x16xf32>,
        %get3A_494 = vector.shape_cast %get3A_493 : vector<1x16xf32> to vector<16xf32>
        %add3A_495 = arith.addf %add3A_488, %get3A_494 : vector<16xf32>
        %add3A_496 = arith.constant 768 : i32
        %add3A_497 = arith.addi %add3A_496, %add3A_457 : i32
        %get3A_498 = arith.index_cast %add3A_497 : i32 to index
        %get3A_499 = arith.constant 0 : index
        %get3A_500 = tpu.vector_load %arg6[%get3A_498, %get3A_499] {strides = array<i32>} : memref<2560x16xf32, #tpu.memory_space<vmem>>, vector<1x16xf32>,
        %get3A_501 = vector.shape_cast %get3A_500 : vector<1x16xf32> to vector<16xf32>
        %add3A_502 = arith.addf %add3A_495, %get3A_501 : vector<16xf32>
        %add3A_503 = arith.constant 896 : i32
        %add3A_504 = arith.addi %add3A_503, %add3A_457 : i32
        %get3A_505 = arith.index_cast %add3A_504 : i32 to index
        %get3A_506 = arith.constant 0 : index
        %get3A_507 = tpu.vector_load %arg6[%get3A_505, %get3A_506] {strides = array<i32>} : memref<2560x16xf32, #tpu.memory_space<vmem>>, vector<1x16xf32>,
        %get3A_508 = vector.shape_cast %get3A_507 : vector<1x16xf32> to vector<16xf32>
        %add3A_509 = arith.addf %add3A_502, %get3A_508 : vector<16xf32>
        %add3A_510 = arith.constant 1024 : i32
        %add3A_511 = arith.addi %add3A_510, %add3A_457 : i32
        %get3A_512 = arith.index_cast %add3A_511 : i32 to index
        %get3A_513 = arith.constant 0 : index
        %get3A_514 = tpu.vector_load %arg6[%get3A_512, %get3A_513] {strides = array<i32>} : memref<2560x16xf32, #tpu.memory_space<vmem>>, vector<1x16xf32>,
        %get3A_515 = vector.shape_cast %get3A_514 : vector<1x16xf32> to vector<16xf32>
        %add3A_516 = arith.addf %add3A_509, %get3A_515 : vector<16xf32>
        %add3A_517 = arith.constant 1152 : i32
        %add3A_518 = arith.addi %add3A_517, %add3A_457 : i32
        %get3A_519 = arith.index_cast %add3A_518 : i32 to index
        %get3A_520 = arith.constant 0 : index
        %get3A_521 = tpu.vector_load %arg6[%get3A_519, %get3A_520] {strides = array<i32>} : memref<2560x16xf32, #tpu.memory_space<vmem>>, vector<1x16xf32>,
        %get3A_522 = vector.shape_cast %get3A_521 : vector<1x16xf32> to vector<16xf32>
        %add3A_523 = arith.addf %add3A_516, %get3A_522 : vector<16xf32>
        %add3A_524 = arith.constant 1280 : i32
        %add3A_525 = arith.addi %add3A_524, %add3A_457 : i32
        %get3A_526 = arith.index_cast %add3A_525 : i32 to index
        %get3A_527 = arith.constant 0 : index
        %get3A_528 = tpu.vector_load %arg6[%get3A_526, %get3A_527] {strides = array<i32>} : memref<2560x16xf32, #tpu.memory_space<vmem>>, vector<1x16xf32>,
        %get3A_529 = vector.shape_cast %get3A_528 : vector<1x16xf32> to vector<16xf32>
        %add3A_530 = arith.addf %add3A_523, %get3A_529 : vector<16xf32>
        %add3A_531 = arith.constant 1408 : i32
        %add3A_532 = arith.addi %add3A_531, %add3A_457 : i32
        %get3A_533 = arith.index_cast %add3A_532 : i32 to index
        %get3A_534 = arith.constant 0 : index
        %get3A_535 = tpu.vector_load %arg6[%get3A_533, %get3A_534] {strides = array<i32>} : memref<2560x16xf32, #tpu.memory_space<vmem>>, vector<1x16xf32>,
        %get3A_536 = vector.shape_cast %get3A_535 : vector<1x16xf32> to vector<16xf32>
        %add3A_537 = arith.addf %add3A_530, %get3A_536 : vector<16xf32>
        %add3A_538 = arith.constant 1536 : i32
        %add3A_539 = arith.addi %add3A_538, %add3A_457 : i32
        %get3A_540 = arith.index_cast %add3A_539 : i32 to index
        %get3A_541 = arith.constant 0 : index
        %get3A_542 = tpu.vector_load %arg6[%get3A_540, %get3A_541] {strides = array<i32>} : memref<2560x16xf32, #tpu.memory_space<vmem>>, vector<1x16xf32>,
        %get3A_543 = vector.shape_cast %get3A_542 : vector<1x16xf32> to vector<16xf32>
        %add3A_544 = arith.addf %add3A_537, %get3A_543 : vector<16xf32>
        %add3A_545 = arith.constant 1664 : i32
        %add3A_546 = arith.addi %add3A_545, %add3A_457 : i32
        %get3A_547 = arith.index_cast %add3A_546 : i32 to index
        %get3A_548 = arith.constant 0 : index
        %get3A_549 = tpu.vector_load %arg6[%get3A_547, %get3A_548] {strides = array<i32>} : memref<2560x16xf32, #tpu.memory_space<vmem>>, vector<1x16xf32>,
        %get3A_550 = vector.shape_cast %get3A_549 : vector<1x16xf32> to vector<16xf32>
        %add3A_551 = arith.addf %add3A_544, %get3A_550 : vector<16xf32>
        %add3A_552 = arith.constant 1792 : i32
        %add3A_553 = arith.addi %add3A_552, %add3A_457 : i32
        %get3A_554 = arith.index_cast %add3A_553 : i32 to index
        %get3A_555 = arith.constant 0 : index
        %get3A_556 = tpu.vector_load %arg6[%get3A_554, %get3A_555] {strides = array<i32>} : memref<2560x16xf32, #tpu.memory_space<vmem>>, vector<1x16xf32>,
        %get3A_557 = vector.shape_cast %get3A_556 : vector<1x16xf32> to vector<16xf32>
        %add3A_558 = arith.addf %add3A_551, %get3A_557 : vector<16xf32>
        %add3A_559 = arith.constant 1920 : i32
        %add3A_560 = arith.addi %add3A_559, %add3A_457 : i32
        %get3A_561 = arith.index_cast %add3A_560 : i32 to index
        %get3A_562 = arith.constant 0 : index
        %get3A_563 = tpu.vector_load %arg6[%get3A_561, %get3A_562] {strides = array<i32>} : memref<2560x16xf32, #tpu.memory_space<vmem>>, vector<1x16xf32>,
        %get3A_564 = vector.shape_cast %get3A_563 : vector<1x16xf32> to vector<16xf32>
        %add3A_565 = arith.addf %add3A_558, %get3A_564 : vector<16xf32>
        %add3A_566 = arith.constant 2048 : i32
        %add3A_567 = arith.addi %add3A_566, %add3A_457 : i32
        %get3A_568 = arith.index_cast %add3A_567 : i32 to index
        %get3A_569 = arith.constant 0 : index
        %get3A_570 = tpu.vector_load %arg6[%get3A_568, %get3A_569] {strides = array<i32>} : memref<2560x16xf32, #tpu.memory_space<vmem>>, vector<1x16xf32>,
        %get3A_571 = vector.shape_cast %get3A_570 : vector<1x16xf32> to vector<16xf32>
        %add3A_572 = arith.addf %add3A_565, %get3A_571 : vector<16xf32>
        %add3A_573 = arith.constant 2176 : i32
        %add3A_574 = arith.addi %add3A_573, %add3A_457 : i32
        %get3A_575 = arith.index_cast %add3A_574 : i32 to index
        %get3A_576 = arith.constant 0 : index
        %get3A_577 = tpu.vector_load %arg6[%get3A_575, %get3A_576] {strides = array<i32>} : memref<2560x16xf32, #tpu.memory_space<vmem>>, vector<1x16xf32>,
        %get3A_578 = vector.shape_cast %get3A_577 : vector<1x16xf32> to vector<16xf32>
        %add3A_579 = arith.addf %add3A_572, %get3A_578 : vector<16xf32>
        %add3A_580 = arith.constant 2304 : i32
        %add3A_581 = arith.addi %add3A_580, %add3A_457 : i32
        %get3A_582 = arith.index_cast %add3A_581 : i32 to index
        %get3A_583 = arith.constant 0 : index
        %get3A_584 = tpu.vector_load %arg6[%get3A_582, %get3A_583] {strides = array<i32>} : memref<2560x16xf32, #tpu.memory_space<vmem>>, vector<1x16xf32>,
        %get3A_585 = vector.shape_cast %get3A_584 : vector<1x16xf32> to vector<16xf32>
        %add3A_586 = arith.addf %add3A_579, %get3A_585 : vector<16xf32>
        %add3A_587 = arith.constant 2432 : i32
        %add3A_588 = arith.addi %add3A_587, %add3A_457 : i32
        %get3A_589 = arith.index_cast %add3A_588 : i32 to index
        %get3A_590 = arith.constant 0 : index
        %get3A_591 = tpu.vector_load %arg6[%get3A_589, %get3A_590] {strides = array<i32>} : memref<2560x16xf32, #tpu.memory_space<vmem>>, vector<1x16xf32>,
        %get3A_592 = vector.shape_cast %get3A_591 : vector<1x16xf32> to vector<16xf32>
        %add3A_593 = arith.addf %add3A_586, %get3A_592 : vector<16xf32>
        %swap3A = arith.index_cast %add3A_457 : i32 to index
        %swap3A_594 = arith.constant 0 : index
        %swap3A_595 = tpu.vector_load %arg7[%swap3A, %swap3A_594] {strides = array<i32>} : memref<128x16xf32, #tpu.memory_space<vmem>>, vector<1x16xf32>,
        %swap3A_596 = vector.shape_cast %swap3A_595 : vector<1x16xf32> to vector<16xf32>
        %swap3A_597 = vector.shape_cast %add3A_593 : vector<16xf32> to vector<1x16xf32>
        tpu.vector_store %arg7[%swap3A, %swap3A_594], %swap3A_597 {strides = array<i32>} : memref<128x16xf32, #tpu.memory_space<vmem>>, vector<1x16xf32>,
      }
      %scan3A_420 = arith.constant 128 : i32
      %jit3A = arith.constant 8 : i32
      %div3A = arith.divsi %add3A_17, %jit3A : i32
      %sign3A = arith.constant 0 : i32
      %sign3A_421 = arith.cmpi sgt, %add3A_17, %sign3A : i32
      %sign3A_422 = arith.extui %sign3A_421 : i1 to i32
      %sign3A_423 = arith.constant 0 : i32
      %sign3A_424 = arith.cmpi slt, %add3A_17, %sign3A_423 : i32
      %sign3A_425 = arith.extui %sign3A_424 : i1 to i32
      %sign3A_426 = arith.subi %sign3A_422, %sign3A_425 : i32
      %sign3A_427 = arith.constant 0 : i32
      %sign3A_428 = arith.cmpi sgt, %jit3A, %sign3A_427 : i32
      %sign3A_429 = arith.extui %sign3A_428 : i1 to i32
      %sign3A_430 = arith.constant 0 : i32
      %sign3A_431 = arith.cmpi slt, %jit3A, %sign3A_430 : i32
      %sign3A_432 = arith.extui %sign3A_431 : i1 to i32
      %sign3A_433 = arith.subi %sign3A_429, %sign3A_432 : i32
      %ne3A = arith.cmpi ne, %sign3A_426, %sign3A_433 : i32
      %rem3A = arith.remsi %add3A_17, %jit3A : i32
      %ne3A_434 = arith.constant 0 : i32
      %ne3A_435 = arith.cmpi ne, %rem3A, %ne3A_434 : i32
      %and3A = arith.andi %ne3A, %ne3A_435 : i1
      %sub3A = arith.constant 1 : i32
      %sub3A_436 = arith.subi %div3A, %sub3A : i32
      %select_n3A = arith.select %and3A, %sub3A_436, %div3A : i32
      %jit3A_437 = arith.constant 8 : i32
      %eq3A = arith.constant 0 : i32
      %eq3A_438 = arith.cmpi eq, %jit3A_437, %eq3A : i32
      %jit3A_439 = arith.constant 1 : i32
      %select_n3A_440 = arith.select %eq3A_438, %jit3A_439, %jit3A_437 : i32
      %rem3A_441 = arith.remsi %add3A_17, %select_n3A_440 : i32
      %ne3A_442 = arith.constant 0 : i32
      %ne3A_443 = arith.cmpi ne, %rem3A_441, %ne3A_442 : i32
      %lt3A = arith.constant 0 : i32
      %lt3A_444 = arith.cmpi slt, %rem3A_441, %lt3A : i32
      %lt3A_445 = arith.constant 0 : i32
      %lt3A_446 = arith.cmpi slt, %select_n3A_440, %lt3A_445 : i32
      %ne3A_447 = arith.xori %lt3A_444, %lt3A_446 : i1
      %and3A_448 = arith.andi %ne3A_447, %ne3A_443 : i1
      %add3A_449 = arith.addi %rem3A_441, %select_n3A_440 : i32
      %select_n3A_450 = arith.select %and3A_448, %add3A_449, %rem3A_441 : i32
      %mul3A_451 = arith.constant 16 : i32
      %mul3A_452 = arith.muli %select_n3A_450, %mul3A_451 : i32
      "tpu.region"() ({
        %run_scoped3A_453 = tpu.sem_alloc : memref<!tpu.dma_semaphore, #tpu.memory_space<semaphore_mem>>
        %dma_start3A_454 = tpu.memref_slice %arg4[%mul3A_2, %select_n3A, %mul3A_452] : memref<4096x4x128xf32, #tpu.memory_space<hbm>> -> memref<128x1x16xf32, #tpu.memory_space<hbm>>
        %dma_start3A_455 = tpu.memref_squeeze %dma_start3A_454 : memref<128x1x16xf32, #tpu.memory_space<hbm>> -> memref<128x16xf32, #tpu.memory_space<hbm>>
        %dma_start3A_456 = tpu.memref_slice %arg4[%mul3A_2, %select_n3A, %mul3A_452] : memref<4096x4x128xf32, #tpu.memory_space<hbm>> -> memref<128x1x16xf32, #tpu.memory_space<hbm>>
        %dma_start3A_457 = tpu.memref_squeeze %dma_start3A_456 : memref<128x1x16xf32, #tpu.memory_space<hbm>> -> memref<128x16xf32, #tpu.memory_space<hbm>>
        tpu.enqueue_dma source(%arg7 : memref<128x16xf32, #tpu.memory_space<vmem>>) target(%dma_start3A_457 : memref<128x16xf32, #tpu.memory_space<hbm>>) target_semaphore(%run_scoped3A_453 : memref<!tpu.dma_semaphore, #tpu.memory_space<semaphore_mem>>)
        %dma_wait3A_458 = tpu.memref_slice %arg4[%mul3A_2, %select_n3A, %mul3A_452] : memref<4096x4x128xf32, #tpu.memory_space<hbm>> -> memref<128x1x16xf32, #tpu.memory_space<hbm>>
        %dma_wait3A_459 = tpu.memref_squeeze %dma_wait3A_458 : memref<128x1x16xf32, #tpu.memory_space<hbm>> -> memref<128x16xf32, #tpu.memory_space<hbm>>
        %dma_wait3A_460 = tpu.memref_slice %arg4[%mul3A_2, %select_n3A, %mul3A_452] : memref<4096x4x128xf32, #tpu.memory_space<hbm>> -> memref<128x1x16xf32, #tpu.memory_space<hbm>>
        %dma_wait3A_461 = tpu.memref_squeeze %dma_wait3A_460 : memref<128x1x16xf32, #tpu.memory_space<hbm>> -> memref<128x16xf32, #tpu.memory_space<hbm>>
        tpu.wait_dma2 semaphore(%run_scoped3A_453 : memref<!tpu.dma_semaphore, #tpu.memory_space<semaphore_mem>>) src(%arg7 : memref<128x16xf32, #tpu.memory_space<vmem>>) dst(%dma_wait3A_461 : memref<128x16xf32, #tpu.memory_space<hbm>>)
        tpu.yield
      }) : () -> ()
    }
    %scan3A_12 = arith.constant 26 : i32
    return
  }
}

module attributes {stable_mosaic.version = 14 : i64} {
  func.func @_detile_body(%arg0: i32, %arg1: memref<16x8192xf32, #tpu.memory_space<vmem>>, %arg2: memref<1024x128xf32, #tpu.memory_space<vmem>>) attributes {dimension_semantics = [#tpu.dimension_semantics<arbitrary>], iteration_bounds = array<i64: 123>, scalar_prefetch = 0 : i64, scratch_operands = 0 : i64, tpu.core_type = #tpu.core_type<tc>, window_params = [{transform_indices = @transform_0, window_bounds = array<i64: 16, 8192>}, {transform_indices = @transform_1, window_bounds = array<i64: 1024, 128>}]} {
    %get3A = arith.constant 0 : index
    %get3A_0 = arith.constant 0 : index
    %get3A_1 = vector.load %arg1[%get3A, %get3A_0] : memref<16x8192xf32, #tpu.memory_space<vmem>>, vector<16x8192xf32>
    %transpose3A = tpu.transpose %get3A_1, [1, 0] : vector<16x8192xf32> -> vector<8192x16xf32>
    %reshape3A = vector.shape_cast %transpose3A : vector<8192x16xf32> to vector<1024x8x16xf32>
    %slice3A = vector.extract_strided_slice %reshape3A {offsets = [0, 0, 0], sizes = [1024, 1, 16], strides = [1, 1, 1]} : vector<1024x8x16xf32> to vector<1024x1x16xf32>
    %squeeze3A = vector.shape_cast %slice3A : vector<1024x1x16xf32> to vector<1024x16xf32>
    %swap3A = arith.constant 0 : index
    %swap3A_2 = arith.constant 0 : index
    %swap3A_3 = vector.load %arg2[%swap3A, %swap3A_2] : memref<1024x128xf32, #tpu.memory_space<vmem>>, vector<1024x16xf32>
    tpu.vector_store %arg2[%swap3A, %swap3A_2], %squeeze3A {strides = array<i32>} : memref<1024x128xf32, #tpu.memory_space<vmem>>, vector<1024x16xf32>,
    %slice3A_4 = vector.extract_strided_slice %reshape3A {offsets = [0, 1, 0], sizes = [1024, 1, 16], strides = [1, 1, 1]} : vector<1024x8x16xf32> to vector<1024x1x16xf32>
    %squeeze3A_5 = vector.shape_cast %slice3A_4 : vector<1024x1x16xf32> to vector<1024x16xf32>
    %swap3A_6 = arith.constant 0 : index
    %swap3A_7 = arith.constant 16 : index
    %swap3A_8 = vector.load %arg2[%swap3A_6, %swap3A_7] : memref<1024x128xf32, #tpu.memory_space<vmem>>, vector<1024x16xf32>
    tpu.vector_store %arg2[%swap3A_6, %swap3A_7], %squeeze3A_5 {strides = array<i32>} : memref<1024x128xf32, #tpu.memory_space<vmem>>, vector<1024x16xf32>,
    %slice3A_9 = vector.extract_strided_slice %reshape3A {offsets = [0, 2, 0], sizes = [1024, 1, 16], strides = [1, 1, 1]} : vector<1024x8x16xf32> to vector<1024x1x16xf32>
    %squeeze3A_10 = vector.shape_cast %slice3A_9 : vector<1024x1x16xf32> to vector<1024x16xf32>
    %swap3A_11 = arith.constant 0 : index
    %swap3A_12 = arith.constant 32 : index
    %swap3A_13 = vector.load %arg2[%swap3A_11, %swap3A_12] : memref<1024x128xf32, #tpu.memory_space<vmem>>, vector<1024x16xf32>
    tpu.vector_store %arg2[%swap3A_11, %swap3A_12], %squeeze3A_10 {strides = array<i32>} : memref<1024x128xf32, #tpu.memory_space<vmem>>, vector<1024x16xf32>,
    %slice3A_14 = vector.extract_strided_slice %reshape3A {offsets = [0, 3, 0], sizes = [1024, 1, 16], strides = [1, 1, 1]} : vector<1024x8x16xf32> to vector<1024x1x16xf32>
    %squeeze3A_15 = vector.shape_cast %slice3A_14 : vector<1024x1x16xf32> to vector<1024x16xf32>
    %swap3A_16 = arith.constant 0 : index
    %swap3A_17 = arith.constant 48 : index
    %swap3A_18 = vector.load %arg2[%swap3A_16, %swap3A_17] : memref<1024x128xf32, #tpu.memory_space<vmem>>, vector<1024x16xf32>
    tpu.vector_store %arg2[%swap3A_16, %swap3A_17], %squeeze3A_15 {strides = array<i32>} : memref<1024x128xf32, #tpu.memory_space<vmem>>, vector<1024x16xf32>,
    %slice3A_19 = vector.extract_strided_slice %reshape3A {offsets = [0, 4, 0], sizes = [1024, 1, 16], strides = [1, 1, 1]} : vector<1024x8x16xf32> to vector<1024x1x16xf32>
    %squeeze3A_20 = vector.shape_cast %slice3A_19 : vector<1024x1x16xf32> to vector<1024x16xf32>
    %swap3A_21 = arith.constant 0 : index
    %swap3A_22 = arith.constant 64 : index
    %swap3A_23 = vector.load %arg2[%swap3A_21, %swap3A_22] : memref<1024x128xf32, #tpu.memory_space<vmem>>, vector<1024x16xf32>
    tpu.vector_store %arg2[%swap3A_21, %swap3A_22], %squeeze3A_20 {strides = array<i32>} : memref<1024x128xf32, #tpu.memory_space<vmem>>, vector<1024x16xf32>,
    %slice3A_24 = vector.extract_strided_slice %reshape3A {offsets = [0, 5, 0], sizes = [1024, 1, 16], strides = [1, 1, 1]} : vector<1024x8x16xf32> to vector<1024x1x16xf32>
    %squeeze3A_25 = vector.shape_cast %slice3A_24 : vector<1024x1x16xf32> to vector<1024x16xf32>
    %swap3A_26 = arith.constant 0 : index
    %swap3A_27 = arith.constant 80 : index
    %swap3A_28 = vector.load %arg2[%swap3A_26, %swap3A_27] : memref<1024x128xf32, #tpu.memory_space<vmem>>, vector<1024x16xf32>
    tpu.vector_store %arg2[%swap3A_26, %swap3A_27], %squeeze3A_25 {strides = array<i32>} : memref<1024x128xf32, #tpu.memory_space<vmem>>, vector<1024x16xf32>,
    %slice3A_29 = vector.extract_strided_slice %reshape3A {offsets = [0, 6, 0], sizes = [1024, 1, 16], strides = [1, 1, 1]} : vector<1024x8x16xf32> to vector<1024x1x16xf32>
    %squeeze3A_30 = vector.shape_cast %slice3A_29 : vector<1024x1x16xf32> to vector<1024x16xf32>
    %swap3A_31 = arith.constant 0 : index
    %swap3A_32 = arith.constant 96 : index
    %swap3A_33 = vector.load %arg2[%swap3A_31, %swap3A_32] : memref<1024x128xf32, #tpu.memory_space<vmem>>, vector<1024x16xf32>
    tpu.vector_store %arg2[%swap3A_31, %swap3A_32], %squeeze3A_30 {strides = array<i32>} : memref<1024x128xf32, #tpu.memory_space<vmem>>, vector<1024x16xf32>,
    %slice3A_34 = vector.extract_strided_slice %reshape3A {offsets = [0, 7, 0], sizes = [1024, 1, 16], strides = [1, 1, 1]} : vector<1024x8x16xf32> to vector<1024x1x16xf32>
    %squeeze3A_35 = vector.shape_cast %slice3A_34 : vector<1024x1x16xf32> to vector<1024x16xf32>
    %swap3A_36 = arith.constant 0 : index
    %swap3A_37 = arith.constant 112 : index
    %swap3A_38 = vector.load %arg2[%swap3A_36, %swap3A_37] : memref<1024x128xf32, #tpu.memory_space<vmem>>, vector<1024x16xf32>
    tpu.vector_store %arg2[%swap3A_36, %swap3A_37], %squeeze3A_35 {strides = array<i32>} : memref<1024x128xf32, #tpu.memory_space<vmem>>, vector<1024x16xf32>,
    return
  }
  func.func @transform_0(%arg0: i32) -> (i32, i32) {
    %c0_i32 = arith.constant 0 : i32
    %c0_i32_0 = arith.constant 0 : i32
    return %c0_i32, %arg0 : i32, i32
  }
  func.func @transform_1(%arg0: i32) -> (i32, i32) {
    %c0_i32 = arith.constant 0 : i32
    %c0_i32_0 = arith.constant 0 : i32
    return %arg0, %c0_i32 : i32, i32
  }
}

module attributes {stable_mosaic.version = 14 : i64} {
  func.func @_tail_body(%arg0: i32, %arg1: memref<512x4x128xf32, #tpu.memory_space<vmem>>, %arg2: memref<512x1xi32, #tpu.memory_space<vmem>>, %arg3: memref<10x16xf32, #tpu.memory_space<vmem>>, %arg4: memref<512x128xf32, #tpu.memory_space<vmem>>, %arg5: memref<16x128xf32, #tpu.memory_space<vmem>>, %arg6: memref<1x128xf32, #tpu.memory_space<vmem>>, %arg7: memref<128x64xf32, #tpu.memory_space<vmem>>, %arg8: memref<1x64xf32, #tpu.memory_space<vmem>>, %arg9: memref<64x512xf32, #tpu.memory_space<vmem>>, %arg10: memref<1x512xf32, #tpu.memory_space<vmem>>, %arg11: memref<512x64xf32, #tpu.memory_space<vmem>>, %arg12: memref<16x64xf32, #tpu.memory_space<vmem>>, %arg13: memref<1x64xf32, #tpu.memory_space<vmem>>, %arg14: memref<64x1xf32, #tpu.memory_space<vmem>>, %arg15: memref<1x1xf32, #tpu.memory_space<vmem>>, %arg16: memref<512x1xf32, #tpu.memory_space<vmem>>) attributes {dimension_semantics = [#tpu.dimension_semantics<arbitrary>], iteration_bounds = array<i64: 8>, scalar_prefetch = 0 : i64, scratch_operands = 0 : i64, tpu.core_type = #tpu.core_type<tc>, window_params = [{transform_indices = @transform_0, window_bounds = array<i64: 512, 4, 128>}, {transform_indices = @transform_1, window_bounds = array<i64: 512, 1>}, {pipeline_mode = #tpu.pipeline_mode<synchronous>, transform_indices = @transform_2, window_bounds = array<i64: 10, 16>}, {pipeline_mode = #tpu.pipeline_mode<synchronous>, transform_indices = @transform_3, window_bounds = array<i64: 512, 128>}, {pipeline_mode = #tpu.pipeline_mode<synchronous>, transform_indices = @transform_4, window_bounds = array<i64: 16, 128>}, {pipeline_mode = #tpu.pipeline_mode<synchronous>, transform_indices = @transform_5, window_bounds = array<i64: 1, 128>}, {pipeline_mode = #tpu.pipeline_mode<synchronous>, transform_indices = @transform_6, window_bounds = array<i64: 128, 64>}, {pipeline_mode = #tpu.pipeline_mode<synchronous>, transform_indices = @transform_7, window_bounds = array<i64: 1, 64>}, {pipeline_mode = #tpu.pipeline_mode<synchronous>, transform_indices = @transform_8, window_bounds = array<i64: 64, 512>}, {pipeline_mode = #tpu.pipeline_mode<synchronous>, transform_indices = @transform_9, window_bounds = array<i64: 1, 512>}, {pipeline_mode = #tpu.pipeline_mode<synchronous>, transform_indices = @transform_10, window_bounds = array<i64: 512, 64>}, {pipeline_mode = #tpu.pipeline_mode<synchronous>, transform_indices = @transform_11, window_bounds = array<i64: 16, 64>}, {pipeline_mode = #tpu.pipeline_mode<synchronous>, transform_indices = @transform_12, window_bounds = array<i64: 1, 64>}, {pipeline_mode = #tpu.pipeline_mode<synchronous>, transform_indices = @transform_13, window_bounds = array<i64: 64, 1>}, {pipeline_mode = #tpu.pipeline_mode<synchronous>, transform_indices = @transform_14, window_bounds = array<i64: 1, 1>}, {transform_indices = @transform_15, window_bounds = array<i64: 512, 1>}]} {
    %get3A = arith.constant 0 : index
    %get3A_0 = arith.constant 0 : index
    %get3A_1 = arith.constant 0 : index
    %get3A_2 = vector.load %arg1[%get3A, %get3A_0, %get3A_1] : memref<512x4x128xf32, #tpu.memory_space<vmem>>, vector<512x4x128xf32>
    %reshape3A = vector.shape_cast %get3A_2 : vector<512x4x128xf32> to vector<512x512xf32>
    %get3A_3 = arith.constant 0 : index
    %get3A_4 = arith.constant 0 : index
    %get3A_5 = vector.load %arg2[%get3A_3, %get3A_4] : memref<512x1xi32, #tpu.memory_space<vmem>>, vector<512x1xi32>
    %iota3A = tpu.iota {dimensions = array<i32: 1>} : vector<512x10xi32>
    %eq3A = vector.broadcast %get3A_5 : vector<512x1xi32> to vector<512x10xi32>
    %eq3A_6 = arith.cmpi eq, %eq3A, %iota3A : vector<512x10xi32>
    %convert_element_type3A = arith.extui %eq3A_6 : vector<512x10xi1> to vector<512x10xi32>
    %convert_element_type3A_7 = arith.sitofp %convert_element_type3A : vector<512x10xi32> to vector<512x10xf32>
    %get3A_8 = arith.constant 0 : index
    %get3A_9 = arith.constant 0 : index
    %get3A_10 = vector.load %arg3[%get3A_8, %get3A_9] : memref<10x16xf32, #tpu.memory_space<vmem>>, vector<10x16xf32>
    %dot_general3A = arith.constant dense<0.000000e+00> : vector<512x16xf32>
    %dot_general3A_11 = tpu.matmul %convert_element_type3A_7, %get3A_10, %dot_general3A {dimension_numbers = #tpu.dot_dimension_numbers<[1], [0], [0], [1], [0, 0, 1, 1], [], []>, transpose_lhs_hint = false} : vector<512x10xf32>, vector<10x16xf32>, vector<512x16xf32> -> vector<512x16xf32>
    %get3A_12 = arith.constant 0 : index
    %get3A_13 = arith.constant 0 : index
    %get3A_14 = vector.load %arg4[%get3A_12, %get3A_13] : memref<512x128xf32, #tpu.memory_space<vmem>>, vector<512x128xf32>
    %dot_general3A_15 = arith.constant dense<0.000000e+00> : vector<512x128xf32>
    %dot_general3A_16 = tpu.matmul %reshape3A, %get3A_14, %dot_general3A_15 {dimension_numbers = #tpu.dot_dimension_numbers<[1], [0], [0], [1], [0, 0, 1, 1], [], []>, transpose_lhs_hint = false} : vector<512x512xf32>, vector<512x128xf32>, vector<512x128xf32> -> vector<512x128xf32>
    %get3A_17 = arith.constant 0 : index
    %get3A_18 = arith.constant 0 : index
    %get3A_19 = vector.load %arg5[%get3A_17, %get3A_18] : memref<16x128xf32, #tpu.memory_space<vmem>>, vector<16x128xf32>
    %dot_general3A_20 = arith.constant dense<0.000000e+00> : vector<512x128xf32>
    %dot_general3A_21 = tpu.matmul %dot_general3A_11, %get3A_19, %dot_general3A_20 {dimension_numbers = #tpu.dot_dimension_numbers<[1], [0], [0], [1], [0, 0, 1, 1], [], []>, transpose_lhs_hint = false} : vector<512x16xf32>, vector<16x128xf32>, vector<512x128xf32> -> vector<512x128xf32>
    %add3A = arith.addf %dot_general3A_16, %dot_general3A_21 : vector<512x128xf32>
    %get3A_22 = arith.constant 0 : index
    %get3A_23 = arith.constant 0 : index
    %get3A_24 = vector.load %arg6[%get3A_22, %get3A_23] : memref<1x128xf32, #tpu.memory_space<vmem>>, vector<1x128xf32>
    %add3A_25 = vector.broadcast %get3A_24 : vector<1x128xf32> to vector<512x128xf32>
    %add3A_26 = arith.addf %add3A, %add3A_25 : vector<512x128xf32>
    %max3A = arith.constant 0.000000e+00 : f32
    %max3A_27 = vector.broadcast %max3A : f32 to vector<512x128xf32>
    %max3A_28 = arith.maximumf %add3A_26, %max3A_27 : vector<512x128xf32>
    %get3A_29 = arith.constant 0 : index
    %get3A_30 = arith.constant 0 : index
    %get3A_31 = vector.load %arg7[%get3A_29, %get3A_30] : memref<128x64xf32, #tpu.memory_space<vmem>>, vector<128x64xf32>
    %dot_general3A_32 = arith.constant dense<0.000000e+00> : vector<512x64xf32>
    %dot_general3A_33 = tpu.matmul %max3A_28, %get3A_31, %dot_general3A_32 {dimension_numbers = #tpu.dot_dimension_numbers<[1], [0], [0], [1], [0, 0, 1, 1], [], []>, transpose_lhs_hint = false} : vector<512x128xf32>, vector<128x64xf32>, vector<512x64xf32> -> vector<512x64xf32>
    %get3A_34 = arith.constant 0 : index
    %get3A_35 = arith.constant 0 : index
    %get3A_36 = vector.load %arg8[%get3A_34, %get3A_35] : memref<1x64xf32, #tpu.memory_space<vmem>>, vector<1x64xf32>
    %add3A_37 = vector.broadcast %get3A_36 : vector<1x64xf32> to vector<512x64xf32>
    %add3A_38 = arith.addf %dot_general3A_33, %add3A_37 : vector<512x64xf32>
    %max3A_39 = arith.constant 0.000000e+00 : f32
    %max3A_40 = vector.broadcast %max3A_39 : f32 to vector<512x64xf32>
    %max3A_41 = arith.maximumf %add3A_38, %max3A_40 : vector<512x64xf32>
    %get3A_42 = arith.constant 0 : index
    %get3A_43 = arith.constant 0 : index
    %get3A_44 = vector.load %arg9[%get3A_42, %get3A_43] : memref<64x512xf32, #tpu.memory_space<vmem>>, vector<64x512xf32>
    %dot_general3A_45 = arith.constant dense<0.000000e+00> : vector<512x512xf32>
    %dot_general3A_46 = tpu.matmul %max3A_41, %get3A_44, %dot_general3A_45 {dimension_numbers = #tpu.dot_dimension_numbers<[1], [0], [0], [1], [0, 0, 1, 1], [], []>, transpose_lhs_hint = false} : vector<512x64xf32>, vector<64x512xf32>, vector<512x512xf32> -> vector<512x512xf32>
    %get3A_47 = arith.constant 0 : index
    %get3A_48 = arith.constant 0 : index
    %get3A_49 = vector.load %arg10[%get3A_47, %get3A_48] : memref<1x512xf32, #tpu.memory_space<vmem>>, vector<1x512xf32>
    %add3A_50 = vector.broadcast %get3A_49 : vector<1x512xf32> to vector<512x512xf32>
    %add3A_51 = arith.addf %dot_general3A_46, %add3A_50 : vector<512x512xf32>
    %reduce_max3A = arith.constant dense<0xFF800000> : vector<512xf32>
    %reduce_max3A_52 = vector.multi_reduction <maximumf>, %add3A_51, %reduce_max3A [1] : vector<512x512xf32> to vector<512xf32>
    %broadcast_in_dim3A = vector.shape_cast %reduce_max3A_52 : vector<512xf32> to vector<512x1xf32>
    %sub3A = vector.broadcast %broadcast_in_dim3A : vector<512x1xf32> to vector<512x512xf32>
    %sub3A_53 = arith.subf %add3A_51, %sub3A : vector<512x512xf32>
    %exp3A = math.exp %sub3A_53 : vector<512x512xf32>
    %reduce_sum3A = arith.constant dense<0.000000e+00> : vector<512xf32>
    %reduce_sum3A_54 = vector.multi_reduction <add>, %exp3A, %reduce_sum3A [1] : vector<512x512xf32> to vector<512xf32>
    %broadcast_in_dim3A_55 = vector.shape_cast %reduce_sum3A_54 : vector<512xf32> to vector<512x1xf32>
    %div3A = vector.broadcast %broadcast_in_dim3A_55 : vector<512x1xf32> to vector<512x512xf32>
    %div3A_56 = arith.divf %exp3A, %div3A : vector<512x512xf32>
    %mul3A = arith.mulf %reshape3A, %div3A_56 : vector<512x512xf32>
    %get3A_57 = arith.constant 0 : index
    %get3A_58 = arith.constant 0 : index
    %get3A_59 = vector.load %arg11[%get3A_57, %get3A_58] : memref<512x64xf32, #tpu.memory_space<vmem>>, vector<512x64xf32>
    %dot_general3A_60 = arith.constant dense<0.000000e+00> : vector<512x64xf32>
    %dot_general3A_61 = tpu.matmul %mul3A, %get3A_59, %dot_general3A_60 {dimension_numbers = #tpu.dot_dimension_numbers<[1], [0], [0], [1], [0, 0, 1, 1], [], []>, transpose_lhs_hint = false} : vector<512x512xf32>, vector<512x64xf32>, vector<512x64xf32> -> vector<512x64xf32>
    %get3A_62 = arith.constant 0 : index
    %get3A_63 = arith.constant 0 : index
    %get3A_64 = vector.load %arg12[%get3A_62, %get3A_63] : memref<16x64xf32, #tpu.memory_space<vmem>>, vector<16x64xf32>
    %dot_general3A_65 = arith.constant dense<0.000000e+00> : vector<512x64xf32>
    %dot_general3A_66 = tpu.matmul %dot_general3A_11, %get3A_64, %dot_general3A_65 {dimension_numbers = #tpu.dot_dimension_numbers<[1], [0], [0], [1], [0, 0, 1, 1], [], []>, transpose_lhs_hint = false} : vector<512x16xf32>, vector<16x64xf32>, vector<512x64xf32> -> vector<512x64xf32>
    %add3A_67 = arith.addf %dot_general3A_61, %dot_general3A_66 : vector<512x64xf32>
    %get3A_68 = arith.constant 0 : index
    %get3A_69 = arith.constant 0 : index
    %get3A_70 = vector.load %arg13[%get3A_68, %get3A_69] : memref<1x64xf32, #tpu.memory_space<vmem>>, vector<1x64xf32>
    %add3A_71 = vector.broadcast %get3A_70 : vector<1x64xf32> to vector<512x64xf32>
    %add3A_72 = arith.addf %add3A_67, %add3A_71 : vector<512x64xf32>
    %max3A_73 = arith.constant 0.000000e+00 : f32
    %max3A_74 = vector.broadcast %max3A_73 : f32 to vector<512x64xf32>
    %max3A_75 = arith.maximumf %add3A_72, %max3A_74 : vector<512x64xf32>
    %get3A_76 = arith.constant 0 : index
    %get3A_77 = arith.constant 0 : index
    %get3A_78 = vector.load %arg14[%get3A_76, %get3A_77] : memref<64x1xf32, #tpu.memory_space<vmem>>, vector<64x1xf32>
    %dot_general3A_79 = arith.constant dense<0.000000e+00> : vector<512x1xf32>
    %dot_general3A_80 = tpu.matmul %max3A_75, %get3A_78, %dot_general3A_79 {dimension_numbers = #tpu.dot_dimension_numbers<[1], [0], [0], [1], [0, 0, 1, 1], [], []>, transpose_lhs_hint = false} : vector<512x64xf32>, vector<64x1xf32>, vector<512x1xf32> -> vector<512x1xf32>
    %get3A_81 = arith.constant 0 : index
    %get3A_82 = arith.constant 0 : index
    %get3A_83 = vector.load %arg15[%get3A_81, %get3A_82] : memref<1x1xf32, #tpu.memory_space<vmem>>, vector<1x1xf32>
    %add3A_84 = vector.broadcast %get3A_83 : vector<1x1xf32> to vector<512x1xf32>
    %add3A_85 = arith.addf %dot_general3A_80, %add3A_84 : vector<512x1xf32>
    %neg3A = arith.constant 0.000000e+00 : f32
    %neg3A_86 = vector.broadcast %neg3A : f32 to vector<512x1xf32>
    %neg3A_87 = arith.subf %neg3A_86, %add3A_85 : vector<512x1xf32>
    %exp3A_88 = math.exp %neg3A_87 : vector<512x1xf32>
    %add3A_89 = arith.constant 1.000000e+00 : f32
    %add3A_90 = vector.broadcast %add3A_89 : f32 to vector<512x1xf32>
    %add3A_91 = arith.addf %add3A_90, %exp3A_88 : vector<512x1xf32>
    %div3A_92 = arith.constant 1.000000e+00 : f32
    %div3A_93 = vector.broadcast %div3A_92 : f32 to vector<512x1xf32>
    %div3A_94 = arith.divf %div3A_93, %add3A_91 : vector<512x1xf32>
    %swap3A = arith.constant 0 : index
    %swap3A_95 = arith.constant 0 : index
    %swap3A_96 = vector.load %arg16[%swap3A, %swap3A_95] : memref<512x1xf32, #tpu.memory_space<vmem>>, vector<512x1xf32>
    tpu.vector_store %arg16[%swap3A, %swap3A_95], %div3A_94 {strides = array<i32>} : memref<512x1xf32, #tpu.memory_space<vmem>>, vector<512x1xf32>,
    return
  }
  func.func @transform_0(%arg0: i32) -> (i32, i32, i32) {
    %c0_i32 = arith.constant 0 : i32
    %c0_i32_0 = arith.constant 0 : i32
    %c0_i32_1 = arith.constant 0 : i32
    return %arg0, %c0_i32, %c0_i32_0 : i32, i32, i32
  }
  func.func @transform_1(%arg0: i32) -> (i32, i32) {
    %c0_i32 = arith.constant 0 : i32
    %c0_i32_0 = arith.constant 0 : i32
    return %arg0, %c0_i32 : i32, i32
  }
  func.func @transform_2(%arg0: i32) -> (i32, i32) {
    %c0_i32 = arith.constant 0 : i32
    %c0_i32_0 = arith.constant 0 : i32
    %c0_i32_1 = arith.constant 0 : i32
    return %c0_i32, %c0_i32_0 : i32, i32
  }
  func.func @transform_3(%arg0: i32) -> (i32, i32) {
    %c0_i32 = arith.constant 0 : i32
    %c0_i32_0 = arith.constant 0 : i32
    %c0_i32_1 = arith.constant 0 : i32
    return %c0_i32, %c0_i32_0 : i32, i32
  }
  func.func @transform_4(%arg0: i32) -> (i32, i32) {
    %c0_i32 = arith.constant 0 : i32
    %c0_i32_0 = arith.constant 0 : i32
    %c0_i32_1 = arith.constant 0 : i32
    return %c0_i32, %c0_i32_0 : i32, i32
  }
  func.func @transform_5(%arg0: i32) -> (i32, i32) {
    %c0_i32 = arith.constant 0 : i32
    %c0_i32_0 = arith.constant 0 : i32
    %c0_i32_1 = arith.constant 0 : i32
    return %c0_i32, %c0_i32_0 : i32, i32
  }
  func.func @transform_6(%arg0: i32) -> (i32, i32) {
    %c0_i32 = arith.constant 0 : i32
    %c0_i32_0 = arith.constant 0 : i32
    %c0_i32_1 = arith.constant 0 : i32
    return %c0_i32, %c0_i32_0 : i32, i32
  }
  func.func @transform_7(%arg0: i32) -> (i32, i32) {
    %c0_i32 = arith.constant 0 : i32
    %c0_i32_0 = arith.constant 0 : i32
    %c0_i32_1 = arith.constant 0 : i32
    return %c0_i32, %c0_i32_0 : i32, i32
  }
  func.func @transform_8(%arg0: i32) -> (i32, i32) {
    %c0_i32 = arith.constant 0 : i32
    %c0_i32_0 = arith.constant 0 : i32
    %c0_i32_1 = arith.constant 0 : i32
    return %c0_i32, %c0_i32_0 : i32, i32
  }
  func.func @transform_9(%arg0: i32) -> (i32, i32) {
    %c0_i32 = arith.constant 0 : i32
    %c0_i32_0 = arith.constant 0 : i32
    %c0_i32_1 = arith.constant 0 : i32
    return %c0_i32, %c0_i32_0 : i32, i32
  }
  func.func @transform_10(%arg0: i32) -> (i32, i32) {
    %c0_i32 = arith.constant 0 : i32
    %c0_i32_0 = arith.constant 0 : i32
    %c0_i32_1 = arith.constant 0 : i32
    return %c0_i32, %c0_i32_0 : i32, i32
  }
  func.func @transform_11(%arg0: i32) -> (i32, i32) {
    %c0_i32 = arith.constant 0 : i32
    %c0_i32_0 = arith.constant 0 : i32
    %c0_i32_1 = arith.constant 0 : i32
    return %c0_i32, %c0_i32_0 : i32, i32
  }
  func.func @transform_12(%arg0: i32) -> (i32, i32) {
    %c0_i32 = arith.constant 0 : i32
    %c0_i32_0 = arith.constant 0 : i32
    %c0_i32_1 = arith.constant 0 : i32
    return %c0_i32, %c0_i32_0 : i32, i32
  }
  func.func @transform_13(%arg0: i32) -> (i32, i32) {
    %c0_i32 = arith.constant 0 : i32
    %c0_i32_0 = arith.constant 0 : i32
    %c0_i32_1 = arith.constant 0 : i32
    return %c0_i32, %c0_i32_0 : i32, i32
  }
  func.func @transform_14(%arg0: i32) -> (i32, i32) {
    %c0_i32 = arith.constant 0 : i32
    %c0_i32_0 = arith.constant 0 : i32
    %c0_i32_1 = arith.constant 0 : i32
    return %c0_i32, %c0_i32_0 : i32, i32
  }
  func.func @transform_15(%arg0: i32) -> (i32, i32) {
    %c0_i32 = arith.constant 0 : i32
    %c0_i32_0 = arith.constant 0 : i32
    return %arg0, %c0_i32 : i32, i32
  }
}

</mosaic_0001>

<sc_bundles>
// kernel: kernel.5.cloned.1.call-start
scs
__scs_entry_jumppad:
0x0: {  	(pc) =	sbr.rel $0x88, $3  }
0x1: {  	(tag) =	ssettag $0x0;
	lr =	simm.s32 $0x1  }
0x2: {  	[smem:$0x3F93] =	sst lr;
	_ =	strace $0xD0000000  }
0x3: {  	_ = 	snop  }
0x4: {  	_ = 	snop  }
0x5: {  	_ = 	snop  }
0x6: {  	_ = 	snop  }
0x7: {  	_ = 	snop  }
__scs_overlays_trampoline_lowered:
0x8: {  	[smem:$0x3FA2] =	sst s0  }
0x9: {  	[smem:$0x3FA3] =	sst s1  }
0xa: {  	[smem:$0x3FA4] =	sst s2  }
0xb: {  	[smem:$0x3FA5] =	sst s3  }
0xc: {  	[smem:$0x3FA6] =	sst s4  }
0xd: {  	[smem:$0x3FA7] =	sst s5  }
0xe: {  	[smem:$0x3FA8] =	sst s6  }
0xf: {  	[smem:$0x3FA9] =	sst s7  }
0x10: {  	[smem:$0x3FAA] =	sst s8  }
0x11: {  	[smem:$0x3FAB] =	sst s9;
	s0 =	simm.s32 @!p0 $0x0  }
0x12: {  	s1 =	sld [smem:$0x3F91];
	s0 =	simm.s32 @p0 $0x1  }
0x13: {  	[smem:$0x3FAC] =	sst s0;
	s0 =	simm.s32 @!p1 $0x0  }
0x14: {  	s2 =	sld [smem:$0x3F90];
	s0 =	simm.s32 @p1 $0x1  }
0x15: {  	[smem:$0x3FAD] =	sst s0;
	s0 =	simm.s32 @!p2 $0x0  }
0x16: {  	s3 =	sld [smem:$0x3FDB];
	s0 =	simm.s32 @p2 $0x1  }
0x17: {  	s4 =	simm.s32 $0x1BF5;
	[smem:$0x3FAF] =	sst s0  }
0x18: {  	s0 =	sld [smem:$0x3F92];
	_ =	swait.ge [sflag:s4], $0x0  }
0x19: {  	s7 =	sld [smem:$0x3F93]  }
0x1a: {  	s8 =	sadd.s32 $0xFFFFE003, lr  }
0x1b: {  	s9 =	sadd.s32 $0xFFFFFEF7, lr;
	s5 =	simm.s32 $0xFFFFFFFF;
	p2 =	slt.u32 s8, $0xFFFFF086  }
0x1c: {  	p1 =	slt.u32 s9, $0xF7A;
	s5 =	simm.s32 @!p2 $0x0  }
0x1d: {  	s5 =	simm.s32 @p1 $0x1;
	p0 =	seq.s32 s7, s2  }
0x1e: {  	s7 =	smul.u32 @!p0 $0xF7A, s2;
	p2 =	seq.s32 @!p0 s5, $0x0  }
0x1f: {  	s9 =	smul.u32 $0xF7A, s1;
	s8 =	simm.s32 @!p0 $0x1BF5;
	p2 =	por !p2, p0  }
0x20: {  	[sflag:s8] =	ssyncset.s32 @!p0 $0xFFFFF086;
	s6 =	sadd.s32 @!p0 s3, s7;
	s7 =	simm.s32 @!p0 $0x108  }
0x21: {  	s3 =	sadd.s32 s3, s9;
	s6 =	sadd.s32 @!p0 $0x88, s6;
	s7 =	simm.s32 @p2 $0x1082  }
0x22: {  	[simem:s7], [sflag:s8] =	dma.local @!p0 [hbm:s6], $0xF7A  }
0x23: {  	s9 =	sor.u32 $0xD0000000, s2;
	s6 =	simm.s32 $0x108;
	_ =	swait.ge @!p0 [sflag:s8], $0x0  }
0x24: {  	s3 =	sadd.s32 $0x88, s3;
	s6 =	simm.s32 @!p1 $0x1082;
	[sflag:s4] =	ssyncset.s32 $0xFFFFF086  }
0x25: {  	[simem:s6], [sflag:s4] =	dma.local [hbm:s3], $0xF7A  }
0x26: {  	[smem:$0x3F93] =	sst s1;
	(tag) =	ssettag s2;
	_ =	strace s9  }
0x27: {  	s1 =	sld [smem:$0x3FA3]  }
0x28: {  	s2 =	sld [smem:$0x3FA4]  }
0x29: {  	s4 =	sld [smem:$0x3FA6]  }
0x2a: {  	p0 =	seq.s32 s5, $0x0;
	s5 =	sld [smem:$0x3FA7]  }
0x2b: {  	s6 =	sld [smem:$0x3FA8]  }
0x2c: {  	s7 =	sld [smem:$0x3FA9]  }
0x2d: {  	s3 =	simm.s32 $0x108;
	s8 =	sld [smem:$0x3FAA]  }
0x2e: {  	s3 =	simm.s32 @!p0 $0x1082;
	s9 =	sld [smem:$0x3FAB]  }
0x2f: {  	lr =	sadd.s32 s0, s3;
	s0 =	sld [smem:$0x3FA2]  }
0x30: {  	s3 =	sld [smem:$0x3FA5]  }
0x31: {  	[smem:$0x3FAE] =	sst s10  }
0x32: {  	s10 =	sld [smem:$0x3FAC];
	_ =	sdelay $0x3  }
0x33: {  	p0 =	seq.s32 s10, $0x1;
	s10 =	sld [smem:$0x3FAE];
	_ =	sdelay $0x3  }
0x34: {  	[smem:$0x3FAE] =	sst s10  }
0x35: {  	s10 =	sld [smem:$0x3FAD];
	_ =	sdelay $0x3  }
0x36: {  	p1 =	seq.s32 s10, $0x1;
	s10 =	sld [smem:$0x3FAE];
	_ =	sdelay $0x3  }
0x37: {  	[smem:$0x3FAE] =	sst s10  }
0x38: {  	s10 =	sld [smem:$0x3FAF]  }
0x39: {  	_ = 	snop;
	(pc) =	sbr.ind lr, $3  }
0x3a: {  	_ = 	snop  }
0x3b: {  	_ = 	snop  }
0x3c: {  	p2 =	seq.s32 s10, $0x1;
	s10 =	sld [smem:$0x3FAE]  }
0x3d: {  	_ =	shalt  }
0x3e: {  	_ =	shalt  }
0x3f: {  	_ =	shalt  }
0x40: {  	_ =	shalt  }
0x41: {  	_ =	shalt  }
0x42: {  	_ =	shalt  }
0x43: {  	_ =	shalt  }
0x44: {  	_ =	shalt  }
0x45: {  	_ =	shalt  }
0x46: {  	_ =	shalt  }
0x47: {  	_ =	shalt  }
0x48: {  	_ =	shalt  }
0x49: {  	_ =	shalt  }
0x4a: {  	_ =	shalt  }
0x4b: {  	_ =	shalt  }
0x4c: {  	_ =	shalt  }
0x4d: {  	_ =	shalt  }
0x4e: {  	_ =	shalt  }
0x4f: {  	_ =	shalt  }
0x50: {  	_ =	shalt  }
0x51: {  	_ =	shalt  }
0x52: {  	_ =	shalt  }
0x53: {  	_ =	shalt  }
0x54: {  	_ =	shalt  }
0x55: {  	_ =	shalt  }
0x56: {  	_ =	shalt  }
0x57: {  	_ =	shalt  }
0x58: {  	_ =	shalt  }
0x59: {  	_ =	shalt  }
0x5a: {  	_ =	shalt  }
0x5b: {  	_ =	shalt  }
0x5c: {  	_ =	shalt  }
0x5d: {  	_ =	shalt  }
0x5e: {  	_ =	shalt  }
0x5f: {  	_ =	shalt  }
0x60: {  	_ =	shalt  }
0x61: {  	_ =	shalt  }
0x62: {  	_ =	shalt  }
0x63: {  	_ =	shalt  }
0x64: {  	_ =	shalt  }
0x65: {  	_ =	shalt  }
0x66: {  	_ =	shalt  }
0x67: {  	_ =	shalt  }
0x68: {  	_ =	shalt  }
0x69: {  	_ =	shalt  }
0x6a: {  	_ =	shalt  }
0x6b: {  	_ =	shalt  }
0x6c: {  	_ =	shalt  }
0x6d: {  	_ =	shalt  }
0x6e: {  	_ =	shalt  }
0x6f: {  	_ =	shalt  }
0x70: {  	_ =	shalt  }
0x71: {  	_ =	shalt  }
0x72: {  	_ =	shalt  }
0x73: {  	_ =	shalt  }
0x74: {  	_ =	shalt  }
0x75: {  	_ =	shalt  }
0x76: {  	_ =	shalt  }
0x77: {  	_ =	shalt  }
0x78: {  	_ =	shalt  }
0x79: {  	_ =	shalt  }
0x7a: {  	_ =	shalt  }
0x7b: {  	_ =	shalt  }
0x7c: {  	_ =	shalt  }
0x7d: {  	_ =	shalt  }
0x7e: {  	_ =	shalt  }
0x7f: {  	_ =	shalt  }
0x80: {  	_ =	shalt  }
0x81: {  	_ =	shalt  }
0x82: {  	_ =	shalt  }
0x83: {  	_ =	shalt  }
0x84: {  	_ =	shalt  }
0x85: {  	_ =	shalt  }
0x86: {  	_ =	shalt  }
0x87: {  	_ =	shalt  }
.Lfunc_end0:
.L_simem_size_0:
called_computation_lowered:
.L_overlay_start_0:
0x88: {  	s2 =	sld [smem:$0x3FD9]  }
0x89: {  	s3 =	sld [smem:$0x3FFE];
	_ =	sdelay $0x1  }
0x8a: {  	s1 =	srdreg.scid  }
0x8b: {  	s0 =	sand.u32 $0x1, s1  }
0x8c: {  	s16 =	sshll.u32 s0, $0xA;
	s2 =	sadd.s32 s3, s2  }
0x8d: {  	s2 =	sadd.s32 s2, s16  }
0x8e: {  	[smem:$0x3FBA] =	sst s2  }
0x8f: {  	_ = 	snop  }
0x90: {  	(tm) =	ssettm $0x1  }
0x91: {  	s17 =	sld [smem:$0x3FFB];
	_ =	sdelay $0x3  }
0x92: {  	_ =	strace s17  }
0x93: {  	s2 =	sld [smem:$0x3FFC];
	_ =	sdelay $0x3  }
0x94: {  	_ =	strace s2  }
0x95: {  	s2 =	sld [smem:$0x3FFD];
	_ =	sdelay $0x3  }
0x96: {  	_ =	strace s2  }
0x97: {  	_ =	strace $0x8FFFFFFF  }
0x98: {  	s18 =	sld [smem:$0x3FDB];
	_ =	sdelay $0x1  }
0x99: {  	s19 =	simm.s32 $_scs_section_size  }
0x9a: {  	s4 =	simm.s32 $_size__tile_overlayer_lowered;
	s5 =	simm.s32 $_tile_overlayer_lowered  }
0x9b: {  	s22 =	simm.s32 $0x1BFF;
	s21 =	sshll.u32 s5, $0x1;
	s2 =	sadd.s32 s19, s18  }
0x9c: {  	s6 =	simm.s32 $0x0;
	s20 =	sshll.u32 s4, $0x1;
	s4 =	sadd.s32 s21, s2  }
0x9d: {  	[timem:s6], [sflag:s22] =	dma.local [hbm:s4], s20  }
0x9e: {  	_ =	swait.ge [sflag:s22], s20  }
0x9f: {  	s3 =	ssub.s32 $0x0, s20;
	[sflag:s22] =	ssyncset.done $0x0  }
0xa0: {  	[sflag:s22] =	ssyncadd.s32 s3;
	_ =	sdelay $0x1  }
0xa1: {  	s23 =	simm.s32 $0x1B8B  }
0xa2: {  	_ =	swait.ge [sflag:s23], $0x1  }
0xa3: {  	[sflag:s23] =	ssyncset.done $0x0  }
0xa4: {  	s25 =	simm.s32 $0x1B8E;
	s24 =	sld [smem:$0x3FFE];
	[sflag:s23] =	ssyncadd.s32 $0xFFFFFFFF  }
0xa5: {  	s26 =	simm.s32 $execute0_lowered;
	[smem:$0x3FD2] =	sst s25  }
0xa6: {  	s4 =	sshll.u32 s26, $0x1;
	_ =	strace $0x80000046;
	[dreg:$0x1] =	wrdreg $0xFFFFFFFF  }
0xa7: {  	s28 =	simm.s32 $_size_execute0_lowered;
	s2 =	sadd.s32 s2, s4;
	[dreg:$0x0] =	wrdreg $0x0  }
0xa8: {  	s4 =	sshll.u32 s28, $0x1;
	[dreg:$0x2] =	wrdreg s2  }
0xa9: {  	[dreg:$0x3] =	wrdreg s4  }
0xaa: {  	[dreg:$0x4] =	wrdreg $0xC0  }
0xab: {  	_ =	task [dreg:s6], $0x5FFFF  }
0xac: {  	[dreg:$0x1] =	wrdreg $0xFFFFFFFF  }
0xad: {  	[dreg:$0x0] =	wrdreg $0x60  }
0xae: {  	[dreg:$0x2] =	wrdreg s24  }
0xaf: {  	[dreg:$0x3] =	wrdreg $0x9  }
0xb0: {  	_ =	task.clear_ibuf [dreg:s6], $0x4FFFF;
	_ =	strace $0x90000046  }
0xb1: {  	s29 =	simm.s32 $0x9;
	_ =	strace $0x80000048  }
0xb2: {  	_ =	swait.ge [sflag:s29], $0x1  }
0xb3: {  	[sflag:s29] =	ssyncadd.s32 $0xFFFFFFFF  }
0xb4: {  	_ =	strace $0x90000048  }
0xb5: {  	_ =	sfence  }
0xb6: {  	s30 =	sld [smem:$0x0];
	_ =	sdelay $0x2  }
0xb7: {  	s31 =	sshll.u32 s1, $0xD;
	s1 =	sshrl.u32 s1, $0x2  }
0xb8: {  	s3 =	sand.u32 $0x4000, s31;
	s1 =	sadd.s32 s1, s30  }
0xb9: {  	s0 =	sor.u32 s3, s0;
	s1 =	sshll.u32 s1, $0x11  }
0xba: {  	s0 =	sor.u32 s1, s0  }
0xbb: {  	s0 =	sadd.s32 $0x8F2B, s0  }
0xbc: {  	[sflag:s0] =	ssyncadd.remote.s32 $0x1  }
0xbd: {  	_ =	sfence.sel $0xFFFF  }
0xbe: {  	[dreg:$0x0] =	wrdreg $0xFFFFFFFF;
	(pc) =	sbr.abs _section_cstart, $3  }
0xbf: {  	[dreg:$0x1] =	wrdreg $0xFFFFFFFF  }
0xc0: {  	_ =	task.clear_ibuf [dreg:s6], $0x2FFFF;
	_ =	strace $0x9FFFFFFF  }
0xc1: {  	(tm) =	ssettm $0x7FFFFFFF  }
tec
execute0_lowered:
.L_overlay_start_1:
0x0: {  	(tag) =	ssettag $0x1  }
0x1: {  	s0 =	rddreg [dreg:$0x0]  }
0x2: {  	s1 =	srdreg.scid;
	s2 =	stileid.u32;
	s8 =	simm.s32 $0x0  }
0x3: {  	s10 =	simm.s32 $0x200;
	s12 =	simm.s32 $0x2;
	s13 =	simm.s32 $0x80  }
0x4: {  	s14 =	simm.s32 $0x680;
	s15 =	simm.s32 $0x7200;
	s16 =	simm.s32 $0x700  }
0x5: {  	s17 =	simm.s32 $0x7A00;
	s18 =	simm.s32 $0x780;
	s19 =	simm.s32 $0x8200  }
0x6: {  	s20 =	simm.s32 $0x800;
	s21 =	simm.s32 $0x8A00;
	s22 =	simm.s32 $0x880  }
0x7: {  	s23 =	simm.s32 $0x9200;
	s24 =	simm.s32 $0x900;
	s28 =	simm.s32 $0xA200  }
0x8: {  	s29 =	simm.s32 $0x1;
	s30 =	simm.s32 $0x10;
	s31 =	simm.s32 $0xAA00  }
0x9: {  	s1 =	sand.u32 $0x1, s1;
	s2 =	sshll.u32 s2, $0x8;
	[smem:$0x7FF] =	sst s8  }
0xa: {  	s4 =	sadd.s32 $0x1EE000, s0;
	s3 =	sshll.u32 s1, $0x7;
	s1 =	ssub.s32 $0x2, s1  }
0xb: {  	s5 =	sadd.s32 $0x2000, s0;
	s3 =	sor.u32 s3, s2;
	s6 =	sshrl.u32 s1, $0x1  }
0xc: {  	_ =	strace $0x80000047;
	s2 =	sshll.u32 s3, $0x6;
	s25 =	ssub.s32 s1, s6  }
0xd: {  	s2 =	sadd.s32 s2, s0;
	s0 =	smax.u32 s25, $0x1;
	s25 =	simm.s32 $0x9A00  }
0xe: {  	s26 =	sadd.s32 $0x22F034, s2;
	s7 =	sadd.s32 $0x22F000, s2;
	[dreg:$0x4] =	wrdreg s0  }
0xf: {  	v0 =	vimm.f32 $0.0e+00;
	s2 =	simm.s32 $0x6A00;
	[dreg:$0x3] =	wrdreg s26;
	s26 =	simm.s32 $0x980  }
.LBB2_1:
0x10: {  	s0 =	simm.s32 $0x0  }
0x11: {  	[tilespmem:s0+$0xB250] =	vst v0  }
0x12: {  	[tilespmem:s0+$0xB200] =	vst v0  }
0x13: {  	[tilespmem:s0+$0xB210] =	vst v0  }
0x14: {  	[tilespmem:s0+$0xB220] =	vst v0  }
0x15: {  	[dreg:$0x2] =	wrdreg s8;
	s1 =	simm.s32 $0x180;
	[tilespmem:s0+$0xB230] =	vst v0  }
.LBB2_2:
0x16: {  	p0 =	sne.s32 s1, $0xBE80;
	[tilespmem:s0+$0xB240] =	vst v0;
	s0 =	sshra.s32 s1, $0x2;
	s1 =	sadd.s32 $0x180, s1  }
.Ltmp0:
0x17: {  	[tilespmem:s0+$0xB250] =	vst v0;
	(pc) =	sbr.rel @p0 .LBB2_2-.Ltmp0, $4  }
0x18: {  	[tilespmem:s0+$0xB200] =	vst v0  }
0x19: {  	[tilespmem:s0+$0xB210] =	vst v0  }
0x1a: {  	[tilespmem:s0+$0xB220] =	vst v0  }
0x1b: {  	[tilespmem:s0+$0xB230] =	vst v0  }
0x1c: {  	[tilespmem:s0+$0xB240] =	vst v0;
	s11 =	rddreg [dreg:$0x3];
	s1 =	simm.s32 $0x60;
	s6 =	simm.s32 $0xB200  }
0x1d: {  	[hbm4b:s11+s1] =	stream.strided.scatter [tilespmem:s6], [sflag:$0x2], $0x3000, s10, s1, $0x38;
	[tilespmem:$0xE200] =	vst v63  }
0x1e: {  	_ =	swait.ge [sflag:s12], $0x3000  }
0x1f: {  	[sflag:s12] =	ssyncset.done $0x0  }
0x20: {  	s0 =	simm.s32 $0x0;
	s1 =	simm.s32 $0x0;
	[sflag:s12] =	ssyncadd.s32 $0xFFFFD000  }
.LBB2_4:
0x21: {  	s6 =	smul.u32 $0x14000, s1;
	_ =	sdelay $0x1  }
0x22: {  	s6 =	sor.u32 s3, s6  }
0x23: {  	s6 =	sshrl.u32 s6, $0x3  }
0x24: {  	s8 =	simm.s32 $0x1000;
	s6 =	sadd.s32 s4, s6  }
0x25: {  	[tilespmem:s0], [sflag:$0x2] =	stream.strided.gather [hbm4b:s6+s13], $0xA00, s8, s13, $0x38;
	[tilespmem:$0xE200] =	vst v63  }
0x26: {  	_ =	swait.ge [sflag:s12], $0xA00  }
0x27: {  	[sflag:s12] =	ssyncset.done $0x0  }
0x28: {  	s11 =	simm.s32 $0xA00;
	[sflag:s12] =	ssyncadd.s32 $0xFFFFF600  }
0x29: {  	[tilespmem:s11], [sflag:$0x1] =	stream.indirect.gather [hbm4b:s5+s13], $0x10, s0, s13, $0xb8;
	[tilespmem:$0xE200] =	vst v63  }
0x2a: {  	s8 =	simm.s32 $0x1200  }
0x2b: {  	[tilespmem:s8], [sflag:$0x1] =	stream.indirect.gather [hbm4b:s5+s13], $0x10, s13, s13, $0xb8;
	[tilespmem:$0xE200] =	vst v63  }
0x2c: {  	s9 =	simm.s32 $0x100;
	s11 =	simm.s32 $0x1A00  }
0x2d: {  	[tilespmem:s11], [sflag:$0x1] =	stream.indirect.gather [hbm4b:s5+s13], $0x10, s9, s13, $0xb8;
	[tilespmem:$0xE200] =	vst v63  }
0x2e: {  	s9 =	simm.s32 $0x180;
	s11 =	simm.s32 $0x2200  }
0x2f: {  	[tilespmem:s11], [sflag:$0x1] =	stream.indirect.gather [hbm4b:s5+s13], $0x10, s9, s13, $0xb8;
	[tilespmem:$0xE200] =	vst v63  }
0x30: {  	s8 =	simm.s32 $0x2A00  }
0x31: {  	[tilespmem:s8], [sflag:$0x1] =	stream.indirect.gather [hbm4b:s5+s13], $0x10, s10, s13, $0xb8;
	[tilespmem:$0xE200] =	vst v63  }
0x32: {  	s9 =	simm.s32 $0x280;
	s11 =	simm.s32 $0x3200  }
0x33: {  	[tilespmem:s11], [sflag:$0x1] =	stream.indirect.gather [hbm4b:s5+s13], $0x10, s9, s13, $0xb8;
	[tilespmem:$0xE200] =	vst v63  }
0x34: {  	s9 =	simm.s32 $0x300;
	s11 =	simm.s32 $0x3A00  }
0x35: {  	[tilespmem:s11], [sflag:$0x1] =	stream.indirect.gather [hbm4b:s5+s13], $0x10, s9, s13, $0xb8;
	[tilespmem:$0xE200] =	vst v63  }
0x36: {  	s9 =	simm.s32 $0x380;
	s11 =	simm.s32 $0x4200  }
0x37: {  	[tilespmem:s11], [sflag:$0x1] =	stream.indirect.gather [hbm4b:s5+s13], $0x10, s9, s13, $0xb8;
	[tilespmem:$0xE200] =	vst v63  }
0x38: {  	s9 =	simm.s32 $0x400;
	s11 =	simm.s32 $0x4A00  }
0x39: {  	[tilespmem:s11], [sflag:$0x1] =	stream.indirect.gather [hbm4b:s5+s13], $0x10, s9, s13, $0xb8;
	[tilespmem:$0xE200] =	vst v63  }
0x3a: {  	s9 =	simm.s32 $0x480;
	s11 =	simm.s32 $0x5200  }
0x3b: {  	[tilespmem:s11], [sflag:$0x1] =	stream.indirect.gather [hbm4b:s5+s13], $0x10, s9, s13, $0xb8;
	[tilespmem:$0xE200] =	vst v63  }
0x3c: {  	s9 =	simm.s32 $0x500;
	s11 =	simm.s32 $0x5A00  }
0x3d: {  	[tilespmem:s11], [sflag:$0x1] =	stream.indirect.gather [hbm4b:s5+s13], $0x10, s9, s13, $0xb8;
	[tilespmem:$0xE200] =	vst v63  }
0x3e: {  	s8 =	simm.s32 $0x580;
	s9 =	simm.s32 $0x6200  }
0x3f: {  	[tilespmem:s9], [sflag:$0x1] =	stream.indirect.gather [hbm4b:s5+s13], $0x10, s8, s13, $0xb8;
	[tilespmem:$0xE200] =	vst v63  }
0x40: {  	s11 =	simm.s32 $0x600  }
0x41: {  	[tilespmem:s2], [sflag:$0x1] =	stream.indirect.gather [hbm4b:s5+s13], $0x10, s11, s13, $0xb8;
	[tilespmem:$0xE200] =	vst v63  }
0x42: {  	_ = 	snop  }
0x43: {  	[tilespmem:s15], [sflag:$0x1] =	stream.indirect.gather [hbm4b:s5+s13], $0x10, s14, s13, $0xb8;
	[tilespmem:$0xE200] =	vst v63  }
0x44: {  	_ = 	snop  }
0x45: {  	[tilespmem:s17], [sflag:$0x1] =	stream.indirect.gather [hbm4b:s5+s13], $0x10, s16, s13, $0xb8;
	[tilespmem:$0xE200] =	vst v63  }
0x46: {  	_ = 	snop  }
0x47: {  	[tilespmem:s19], [sflag:$0x1] =	stream.indirect.gather [hbm4b:s5+s13], $0x10, s18, s13, $0xb8;
	[tilespmem:$0xE200] =	vst v63  }
0x48: {  	_ = 	snop  }
0x49: {  	[tilespmem:s21], [sflag:$0x1] =	stream.indirect.gather [hbm4b:s5+s13], $0x10, s20, s13, $0xb8;
	[tilespmem:$0xE200] =	vst v63  }
0x4a: {  	_ = 	snop  }
0x4b: {  	[tilespmem:s23], [sflag:$0x1] =	stream.indirect.gather [hbm4b:s5+s13], $0x10, s22, s13, $0xb8;
	[tilespmem:$0xE200] =	vst v63  }
0x4c: {  	_ = 	snop  }
0x4d: {  	[tilespmem:s25], [sflag:$0x1] =	stream.indirect.gather [hbm4b:s5+s13], $0x10, s24, s13, $0xb8;
	[tilespmem:$0xE200] =	vst v63  }
0x4e: {  	_ = 	snop  }
0x4f: {  	[tilespmem:s28], [sflag:$0x1] =	stream.indirect.gather [hbm4b:s5+s13], $0x10, s26, s13, $0xb8;
	[tilespmem:$0xE200] =	vst v63  }
0x50: {  	_ =	swait.ge [sflag:s29], $0x800  }
0x51: {  	[sflag:s29] =	ssyncset.done $0x0  }
0x52: {  	[sflag:s29] =	ssyncadd.s32 $0xFFFFF800  }
0x53: {  	_ =	swait.ge [sflag:s29], $0x800  }
0x54: {  	[sflag:s29] =	ssyncset.done $0x0  }
0x55: {  	[sflag:s29] =	ssyncadd.s32 $0xFFFFF800  }
0x56: {  	_ =	swait.ge [sflag:s29], $0x800  }
0x57: {  	[sflag:s29] =	ssyncset.done $0x0  }
0x58: {  	[sflag:s29] =	ssyncadd.s32 $0xFFFFF800  }
0x59: {  	_ =	swait.ge [sflag:s29], $0x800  }
0x5a: {  	[sflag:s29] =	ssyncset.done $0x0  }
0x5b: {  	[sflag:s29] =	ssyncadd.s32 $0xFFFFF800  }
0x5c: {  	_ =	swait.ge [sflag:s29], $0x800  }
0x5d: {  	[sflag:s29] =	ssyncset.done $0x0  }
0x5e: {  	[sflag:s29] =	ssyncadd.s32 $0xFFFFF800  }
0x5f: {  	_ =	swait.ge [sflag:s29], $0x800  }
0x60: {  	[sflag:s29] =	ssyncset.done $0x0  }
0x61: {  	[sflag:s29] =	ssyncadd.s32 $0xFFFFF800  }
0x62: {  	_ =	swait.ge [sflag:s29], $0x800  }
0x63: {  	[sflag:s29] =	ssyncset.done $0x0  }
0x64: {  	[sflag:s29] =	ssyncadd.s32 $0xFFFFF800  }
0x65: {  	_ =	swait.ge [sflag:s29], $0x800  }
0x66: {  	[sflag:s29] =	ssyncset.done $0x0  }
0x67: {  	[sflag:s29] =	ssyncadd.s32 $0xFFFFF800  }
0x68: {  	_ =	swait.ge [sflag:s29], $0x800  }
0x69: {  	[sflag:s29] =	ssyncset.done $0x0  }
0x6a: {  	[sflag:s29] =	ssyncadd.s32 $0xFFFFF800  }
0x6b: {  	_ =	swait.ge [sflag:s29], $0x800  }
0x6c: {  	[sflag:s29] =	ssyncset.done $0x0  }
0x6d: {  	[sflag:s29] =	ssyncadd.s32 $0xFFFFF800  }
0x6e: {  	_ =	swait.ge [sflag:s29], $0x800  }
0x6f: {  	[sflag:s29] =	ssyncset.done $0x0  }
0x70: {  	[sflag:s29] =	ssyncadd.s32 $0xFFFFF800  }
0x71: {  	_ =	swait.ge [sflag:s29], $0x800  }
0x72: {  	[sflag:s29] =	ssyncset.done $0x0  }
0x73: {  	[sflag:s29] =	ssyncadd.s32 $0xFFFFF800  }
0x74: {  	_ =	swait.ge [sflag:s29], $0x800  }
0x75: {  	[sflag:s29] =	ssyncset.done $0x0  }
0x76: {  	[sflag:s29] =	ssyncadd.s32 $0xFFFFF800  }
0x77: {  	_ =	swait.ge [sflag:s29], $0x800  }
0x78: {  	[sflag:s29] =	ssyncset.done $0x0  }
0x79: {  	[sflag:s29] =	ssyncadd.s32 $0xFFFFF800  }
0x7a: {  	_ =	swait.ge [sflag:s29], $0x800  }
0x7b: {  	[sflag:s29] =	ssyncset.done $0x0  }
0x7c: {  	[sflag:s29] =	ssyncadd.s32 $0xFFFFF800  }
0x7d: {  	_ =	swait.ge [sflag:s29], $0x800  }
0x7e: {  	[sflag:s29] =	ssyncset.done $0x0  }
0x7f: {  	[sflag:s29] =	ssyncadd.s32 $0xFFFFF800  }
0x80: {  	_ =	swait.ge [sflag:s29], $0x800  }
0x81: {  	[sflag:s29] =	ssyncset.done $0x0  }
0x82: {  	[sflag:s29] =	ssyncadd.s32 $0xFFFFF800  }
0x83: {  	_ =	swait.ge [sflag:s29], $0x800  }
0x84: {  	[sflag:s29] =	ssyncset.done $0x0  }
0x85: {  	[sflag:s29] =	ssyncadd.s32 $0xFFFFF800  }
0x86: {  	_ =	swait.ge [sflag:s29], $0x800  }
0x87: {  	[sflag:s29] =	ssyncset.done $0x0  }
0x88: {  	[sflag:s29] =	ssyncadd.s32 $0xFFFFF800  }
0x89: {  	_ =	swait.ge [sflag:s29], $0x800  }
0x8a: {  	[sflag:s29] =	ssyncset.done $0x0  }
0x8b: {  	s11 =	simm.s32 $0x0;
	[sflag:s29] =	ssyncadd.s32 $0xFFFFF800  }
0x8c: {  	v1 =	vld [tilespmem:s11+$0xA00]  }
0x8d: {  	v2 =	vld [tilespmem:s11+$0x1200];
	_ =	sdelay $0x1  }
0x8e: {  	v3 =	vld [tilespmem:s11+$0x1A00];
	_ =	sdelay $0x1  }
0x8f: {  	v4 =	vld [tilespmem:s11+$0x2200]  }
0x90: {  	v1 =	vadd.f32 v2, v1  }
0x91: {  	v2 =	vld [tilespmem:s11+$0x2A00]  }
0x92: {  	v1 =	vadd.f32 v3, v1  }
0x93: {  	v3 =	vld [tilespmem:s11+$0x3200]  }
0x94: {  	v1 =	vadd.f32 v4, v1  }
0x95: {  	v4 =	vld [tilespmem:s11+$0x3A00]  }
0x96: {  	v1 =	vadd.f32 v2, v1  }
0x97: {  	v2 =	vld [tilespmem:s11+$0x4200]  }
0x98: {  	v1 =	vadd.f32 v3, v1  }
0x99: {  	v3 =	vld [tilespmem:s11+$0x4A00]  }
0x9a: {  	v1 =	vadd.f32 v4, v1  }
0x9b: {  	v4 =	vld [tilespmem:s11+$0x5200]  }
0x9c: {  	s9 =	simm.s32 $0x10;
	v5 =	vld [tilespmem:s11+$0x5A00];
	v1 =	vadd.f32 v2, v1  }
0x9d: {  	v6 =	vld [tilespmem:s9+$0xA00]  }
0x9e: {  	v2 =	vld [tilespmem:s11+$0x6200];
	v1 =	vadd.f32 v3, v1  }
0x9f: {  	v3 =	vld [tilespmem:s9+$0x1200]  }
0xa0: {  	v7 =	vld [tilespmem:s9+$0x1A00];
	v1 =	vadd.f32 v4, v1  }
0xa1: {  	v4 =	vld [tilespmem:s11+$0x6A00]  }
0xa2: {  	v8 =	vld [tilespmem:s9+$0x2200];
	v1 =	vadd.f32 v5, v1  }
0xa3: {  	v5 =	vld [tilespmem:s11+$0x7200]  }
0xa4: {  	v3 =	vadd.f32 v3, v6;
	v6 =	vld [tilespmem:s9+$0x2A00];
	v1 =	vadd.f32 v2, v1  }
0xa5: {  	v2 =	vld [tilespmem:s11+$0x7A00]  }
0xa6: {  	v3 =	vadd.f32 v7, v3;
	v7 =	vld [tilespmem:s9+$0x3200];
	v1 =	vadd.f32 v4, v1  }
0xa7: {  	v4 =	vld [tilespmem:s11+$0x8200]  }
0xa8: {  	v3 =	vadd.f32 v8, v3;
	v8 =	vld [tilespmem:s9+$0x3A00];
	v1 =	vadd.f32 v5, v1  }
0xa9: {  	v5 =	vld [tilespmem:s11+$0x8A00]  }
0xaa: {  	v3 =	vadd.f32 v6, v3;
	v6 =	vld [tilespmem:s9+$0x4200];
	v1 =	vadd.f32 v2, v1  }
0xab: {  	v2 =	vld [tilespmem:s11+$0x9200]  }
0xac: {  	v9 =	vld [tilespmem:s9+$0x4A00];
	v3 =	vadd.f32 v7, v3;
	v1 =	vadd.f32 v4, v1  }
0xad: {  	v7 =	vld [tilespmem:s11+$0x9A00]  }
0xae: {  	v4 =	vld [tilespmem:s9+$0x5200];
	v8 =	vadd.f32 v8, v3;
	v5 =	vadd.f32 v5, v1  }
0xaf: {  	v3 =	vld [tilespmem:s11+$0xA200]  }
0xb0: {  	v1 =	vld [tilespmem:s9+$0x6200];
	v6 =	vadd.f32 v6, v8;
	v8 =	vadd.f32 v2, v5  }
0xb1: {  	s6 =	simm.s32 $0x20;
	v5 =	vld [tilespmem:s9+$0x5A00]  }
0xb2: {  	s8 =	simm.s32 $0xC0;
	v2 =	vld [tilespmem:s6+$0xA00];
	v6 =	vadd.f32 v9, v6;
	v7 =	vadd.f32 v7, v8  }
.LBB2_5:
0xb3: {  	p0 =	sne.s32 s8, $0x1FC0;
	v8 =	vld [tilespmem:s6+$0x1200]  }
0xb4: {  	v4 =	vadd.f32 v4, v6;
	v6 =	vld [tilespmem:s9+$0x6A00];
	v3 =	vadd.f32 v3, v7  }
0xb5: {  	v7 =	vld [tilespmem:s6+$0x1A00]  }
0xb6: {  	v4 =	vadd.f32 v5, v4;
	v5 =	vld [tilespmem:s9+$0x7200];
	[tilespmem:s11+$0xAA00] =	vst v3;
	s11 =	smov.u32 s9;
	s9 =	smov.u32 s6  }
0xb7: {  	v3 =	vld [tilespmem:s9+$0x2200]  }
0xb8: {  	v2 =	vadd.f32 v8, v2;
	v1 =	vadd.f32 v1, v4;
	v4 =	vld [tilespmem:s11+$0x7A00]  }
0xb9: {  	v8 =	vld [tilespmem:s9+$0x2A00]  }
0xba: {  	v2 =	vadd.f32 v7, v2;
	v1 =	vadd.f32 v6, v1;
	v6 =	vld [tilespmem:s11+$0x8200]  }
0xbb: {  	v7 =	vld [tilespmem:s9+$0x3200]  }
0xbc: {  	v2 =	vadd.f32 v3, v2;
	v1 =	vadd.f32 v5, v1;
	v3 =	vld [tilespmem:s11+$0x8A00]  }
0xbd: {  	v5 =	vld [tilespmem:s9+$0x3A00]  }
0xbe: {  	v2 =	vadd.f32 v8, v2;
	v1 =	vadd.f32 v4, v1;
	v8 =	vld [tilespmem:s11+$0x9200]  }
0xbf: {  	v9 =	vld [tilespmem:s9+$0x4200]  }
0xc0: {  	v2 =	vadd.f32 v7, v2;
	v1 =	vadd.f32 v6, v1;
	v7 =	vld [tilespmem:s11+$0x9A00]  }
0xc1: {  	v6 =	vld [tilespmem:s9+$0x4A00]  }
.Ltmp1:
0xc2: {  	v2 =	vadd.f32 v5, v2;
	v5 =	vadd.f32 v3, v1;
	v3 =	vld [tilespmem:s11+$0xA200];
	(pc) =	sbr.rel @p0 .LBB2_5-.Ltmp1, $4  }
0xc3: {  	v4 =	vld [tilespmem:s9+$0x5200]  }
0xc4: {  	v9 =	vadd.f32 v9, v2;
	v1 =	vld [tilespmem:s9+$0x6200];
	v8 =	vadd.f32 v8, v5  }
0xc5: {  	s6 =	sshra.s32 s8, $0x2;
	v5 =	vld [tilespmem:s9+$0x5A00]  }
0xc6: {  	s8 =	sadd.s32 $0x40, s8;
	v2 =	vld [tilespmem:s6+$0xA00];
	v6 =	vadd.f32 v6, v9;
	v7 =	vadd.f32 v7, v8  }
0xc7: {  	v8 =	vld [tilespmem:s6+$0x1200]  }
0xc8: {  	v9 =	vld [tilespmem:s9+$0x6A00];
	v3 =	vadd.f32 v3, v7  }
0xc9: {  	v48 =	vld [tilespmem:s6+$0x1A00]  }
0xca: {  	v10 =	vld [tilespmem:s9+$0x7200];
	v4 =	vadd.f32 v4, v6;
	[tilespmem:s11+$0xAA00] =	vst v3  }
0xcb: {  	v3 =	vld [tilespmem:s6+$0x2200]  }
0xcc: {  	v4 =	vadd.f32 v5, v4;
	v2 =	vadd.f32 v8, v2  }
0xcd: {  	v49 =	vld [tilespmem:s6+$0x2A00]  }
0xce: {  	v50 =	vld [tilespmem:s9+$0x7A00];
	v1 =	vadd.f32 v1, v4;
	v2 =	vadd.f32 v48, v2  }
0xcf: {  	v51 =	vld [tilespmem:s6+$0x3200]  }
0xd0: {  	v52 =	vld [tilespmem:s9+$0x8200];
	v1 =	vadd.f32 v9, v1;
	v2 =	vadd.f32 v3, v2  }
0xd1: {  	v3 =	vld [tilespmem:s6+$0x3A00]  }
0xd2: {  	v53 =	vld [tilespmem:s9+$0x8A00];
	v1 =	vadd.f32 v10, v1;
	v2 =	vadd.f32 v49, v2  }
0xd3: {  	v54 =	vld [tilespmem:s6+$0x4200]  }
0xd4: {  	v55 =	vld [tilespmem:s9+$0x9200];
	v1 =	vadd.f32 v50, v1;
	v2 =	vadd.f32 v51, v2  }
0xd5: {  	v56 =	vld [tilespmem:s6+$0x4A00]  }
0xd6: {  	v57 =	vld [tilespmem:s9+$0x9A00];
	v1 =	vadd.f32 v52, v1;
	v2 =	vadd.f32 v3, v2  }
0xd7: {  	v3 =	vld [tilespmem:s6+$0x5200]  }
0xd8: {  	v58 =	vld [tilespmem:s9+$0xA200];
	v1 =	vadd.f32 v53, v1;
	v2 =	vadd.f32 v54, v2  }
0xd9: {  	v59 =	vld [tilespmem:s6+$0x5A00]  }
0xda: {  	v1 =	vadd.f32 v55, v1;
	v2 =	vadd.f32 v56, v2  }
0xdb: {  	v60 =	vld [tilespmem:s6+$0x6200]  }
0xdc: {  	v1 =	vadd.f32 v57, v1;
	v2 =	vadd.f32 v3, v2  }
0xdd: {  	v3 =	vld [tilespmem:s6+$0x6A00]  }
0xde: {  	v1 =	vadd.f32 v58, v1;
	v2 =	vadd.f32 v59, v2  }
0xdf: {  	v61 =	vld [tilespmem:s6+$0x7200]  }
0xe0: {  	[tilespmem:s9+$0xAA00] =	vst v1;
	v1 =	vadd.f32 v60, v2  }
0xe1: {  	v2 =	vld [tilespmem:s6+$0x7A00]  }
0xe2: {  	v1 =	vadd.f32 v3, v1  }
0xe3: {  	v3 =	vld [tilespmem:s6+$0x8200]  }
0xe4: {  	v1 =	vadd.f32 v61, v1  }
0xe5: {  	v62 =	vld [tilespmem:s6+$0x8A00]  }
0xe6: {  	v1 =	vadd.f32 v2, v1  }
0xe7: {  	v2 =	vld [tilespmem:s6+$0x9200]  }
0xe8: {  	v1 =	vadd.f32 v3, v1  }
0xe9: {  	v3 =	vld [tilespmem:s6+$0x9A00]  }
0xea: {  	v1 =	vadd.f32 v62, v1  }
0xeb: {  	v63 =	vld [tilespmem:s6+$0xA200]  }
0xec: {  	v1 =	vadd.f32 v2, v1;
	_ =	sdelay $0x1  }
0xed: {  	v1 =	vadd.f32 v3, v1;
	_ =	sdelay $0x1  }
0xee: {  	s8 =	sshll.u32 s1, $0x1;
	s1 =	sadd.s32 $0x1, s1;
	v1 =	vadd.f32 v63, v1  }
0xef: {  	p0 =	sne.s32 s1, $0x1A  }
.Ltmp2:
0xf0: {  	s11 =	sadd.s32 s8, s7;
	[tilespmem:s6+$0xAA00] =	vst v1;
	(pc) =	sbr.rel @p0 .LBB2_4-.Ltmp2, $4  }
0xf1: {  	[hbm4b:s11+s30] =	stream.strided.scatter [tilespmem:s31], [sflag:$0x2], $0x800, s10, s30, $0x38;
	[tilespmem:$0xE200] =	vst v63  }
0xf2: {  	_ =	swait.ge [sflag:s12], $0x800  }
0xf3: {  	[sflag:s12] =	ssyncset.done $0x0  }
0xf4: {  	[sflag:s12] =	ssyncadd.s32 $0xFFFFF800  }
0xf5: {  	s8 =	rddreg [dreg:$0x2]  }
0xf6: {  	s0 =	rddreg [dreg:$0x4];
	s8 =	sadd.s32 $0x1, s8  }
0xf7: {  	p0 =	sne.s32 s8, s0  }
.Ltmp3:
0xf8: {  	_ = 	snop;
	(pc) =	sbr.rel @p0 .LBB2_1-.Ltmp3, $1  }
0xf9: {  	_ =	sdelay $0x3  }
0xfa: {  	_ =	sfence.sel $0x180000  }
0xfb: {  	[bflag:$0x0] =	sbarrier.arrive $0xFFFF  }
0xfc: {  	_ =	strace $0x90000047  }
0xfd: {  	s0 =	stileid.u32;
	[bflag:$0x2] =	sbarrier.arrive $0xFFFF  }
0xfe: {  	p0 =	sne.s32 s0, $0x0;
	s0 =	rddreg [dreg:$0x1]  }
0xff: {  	s0 =	sadd.s32 @!p0 $0x100000, s0  }
0x100: {  	[sflag:s0] =	ssyncadd.tile.s32 @!p0 $0x1;
	_ =	shalt  }
.Lfunc_end2:
_tile_overlayer_lowered:
.L_overlay_start_2:
0x101: {  	(tag) =	ssettag $0x2  }
0x102: {  	s0 =	rddreg [dreg:$0x0];
	s2 =	stileid.u32  }
0x103: {  	s1 =	rddreg [dreg:$0x1];
	p0 =	sne.s32 s2, $0x0  }
0x104: {  	s3 =	rddreg [dreg:$0x2];
	[bflag:$0x3] =	sbarrier.arrive $0xFFFF;
	s2 =	simm.s32 @!p0 $0x1C02  }
0x105: {  	[timem:s3], [sflag:s2] =	dma.local @!p0 [hbm:s0], s1  }
0x106: {  	s0 =	simm.s32 @!p0 $0x2  }
0x107: {  	_ =	swait.ge @!p0 [sflag:s0], s1  }
0x108: {  	s1 =	ssub.s32 @!p0 $0x0, s1;
	[sflag:s0] =	ssyncset.done @!p0 $0x0  }
0x109: {  	[sflag:s0] =	ssyncadd.s32 @!p0 s1  }
0x10a: {  	[bflag:$0x3] =	sbarrier.arrive $0xFFFF  }
0x10b: {  	_ =	shalt  }

</sc_bundles>
